<compile_context>
chip_gen: v7x
topology: tpu7x:2x2x1
jax: 0.10.2.dev20260603
libtpu: 0.0.44.dev20260713+nightly
codegen_flags: <defaults>
</compile_context>

<pallas_src>
import functools

import jax
import jax.numpy as jnp
from jax import lax
from jax.experimental import pallas as pl
from jax.experimental.pallas import tpu as pltpu
from jax.experimental.pallas import tpu_sc as plsc

NC = 2
NS = 16
NW = NC * NS


def _sc_gather(user_table, item_table, user, item, chunk_base, chunk_rows):
    D = user_table.shape[1]
    b_per_w = chunk_rows // NW
    mesh = plsc.VectorSubcoreMesh(core_axis_name="c", subcore_axis_name="s")

    @functools.partial(
        pl.kernel,
        mesh=mesh,
        out_type=(
            jax.ShapeDtypeStruct((chunk_rows, D), jnp.float32),
            jax.ShapeDtypeStruct((chunk_rows, D), jnp.float32),
        ),
        scratch_types=[
            pltpu.VMEM((b_per_w,), jnp.int32),
            pltpu.VMEM((b_per_w,), jnp.int32),
            pltpu.VMEM((b_per_w, D), jnp.float32),
            pltpu.VMEM((b_per_w, D), jnp.float32),
            pltpu.SemaphoreType.DMA((2,)),
            pltpu.SemaphoreType.DMA((2,)),
        ],
    )
    def gather_kernel(ut_hbm, it_hbm, uidx_hbm, iidx_hbm, uo_hbm, io_hbm,
                      uidx_v, iidx_v, urows_v, irows_v, usems, isems):
        wid = lax.axis_index("s") * NC + lax.axis_index("c")
        base = wid * b_per_w
        nsub = 2
        sub = b_per_w // nsub
        lu = pltpu.async_copy(uidx_hbm.at[pl.ds(chunk_base + base, b_per_w)],
                              uidx_v, usems.at[0])
        li = pltpu.async_copy(iidx_hbm.at[pl.ds(chunk_base + base, b_per_w)],
                              iidx_v, isems.at[0])
        lu.wait()
        li.wait()
        gathers = []
        for s in range(nsub):
            sl = pl.ds(s * sub, sub)
            gathers.append(
                (sl,
                 pltpu.async_copy(ut_hbm.at[uidx_v.at[sl]], urows_v.at[sl],
                                  usems.at[s]),
                 pltpu.async_copy(it_hbm.at[iidx_v.at[sl]], irows_v.at[sl],
                                  isems.at[s])))
        writes = []
        for s, (sl, ug, ig) in enumerate(gathers):
            dst = pl.ds(base + s * sub, sub)
            ug.wait()
            writes.append(pltpu.async_copy(urows_v.at[sl], uo_hbm.at[dst],
                                           usems.at[s]))
            ig.wait()
            writes.append(pltpu.async_copy(irows_v.at[sl], io_hbm.at[dst],
                                           isems.at[s]))
        for w in writes:
            w.wait()

    return gather_kernel(user_table, item_table, user, item)


def _mlp_body(ue_ref, ie_ref, w1a_ref, b1_ref, w2_ref, b2_ref,
              wfa_ref, wfb_ref, bf_ref, *rest):
    out_ref = rest[-1]
    ueb = ue_ref[...].astype(jnp.bfloat16)
    ieb = ie_ref[...].astype(jnp.bfloat16)
    x = jnp.concatenate([ueb, ieb], axis=1)
    h1 = (jnp.dot(x, w1a_ref[...], preferred_element_type=jnp.float32)
          + b1_ref[...]).astype(jnp.bfloat16)
    h1 = jnp.maximum(h1, jnp.bfloat16(0.0))
    h2 = (jnp.dot(h1, w2_ref[...], preferred_element_type=jnp.float32)
          + b2_ref[...]).astype(jnp.bfloat16)
    h2 = jnp.maximum(h2, jnp.bfloat16(0.0))
    gmf = ueb * ieb
    out = (jnp.dot(gmf, wfa_ref[...], preferred_element_type=jnp.float32)
           + jnp.dot(h2, wfb_ref[...], preferred_element_type=jnp.float32))
    out_ref[...] = (out + bf_ref[0]).T[None]


def _prep_weights(D, W1, b1, W2, b2, Wf):
    H = W1.shape[0]
    w1 = W1.T.astype(jnp.bfloat16)
    w2 = W2.T.astype(jnp.bfloat16)
    wfa = Wf[:, :D].T.astype(jnp.bfloat16)
    wfb = Wf[:, D:].T.astype(jnp.bfloat16)
    b1r = b1.reshape(1, H)
    b2r = b2.reshape(1, W2.shape[0])
    return w1, b1r, w2, b2r, wfa, wfb


def _tc_mlp(ue, ie, w1, b1r, w2, b2r, wfa, wfb, bf, nb_total, block_off,
            carry=None, block_b=2048):
    Bc, D = ue.shape
    H = w1.shape[1]
    D2 = w2.shape[1]
    nb = Bc // block_b

    in_specs = [
        pl.BlockSpec((block_b, D), lambda i: (i, 0)),
        pl.BlockSpec((block_b, D), lambda i: (i, 0)),
        pl.BlockSpec((2 * D, H), lambda i: (0, 0)),
        pl.BlockSpec((1, H), lambda i: (0, 0)),
        pl.BlockSpec((H, D2), lambda i: (0, 0)),
        pl.BlockSpec((1, D2), lambda i: (0, 0)),
        pl.BlockSpec((D, 1), lambda i: (0, 0)),
        pl.BlockSpec((D2, 1), lambda i: (0, 0)),
        pl.BlockSpec((1,), lambda i: (0,)),
    ]
    args = [ue, ie, w1, b1r, w2, b2r, wfa, wfb, bf]
    aliases = {}
    if carry is not None:
        in_specs.append(pl.BlockSpec(memory_space=pl.ANY))
        args.append(carry)
        aliases = {9: 0}
    return pl.pallas_call(
        _mlp_body,
        grid=(nb,),
        in_specs=in_specs,
        out_specs=pl.BlockSpec((1, 1, block_b),
                               lambda i: (i + block_off, 0, 0)),
        out_shape=jax.ShapeDtypeStruct((nb_total, 1, block_b), jnp.float32),
        input_output_aliases=aliases,
    )(*args)


NCHUNKS = 2
BLOCK_B = 2048


@jax.jit
def kernel(user, item, user_table, item_table, W1, b1, W2, b2, Wf, bf):
    B = user.shape[0]
    D = user_table.shape[1]
    wp = _prep_weights(D, W1, b1, W2, b2, Wf)
    Bc = B // NCHUNKS
    nb_total = B // BLOCK_B
    nb_chunk = Bc // BLOCK_B
    embs = [
        _sc_gather(user_table, item_table, user, item, c * Bc, Bc)
        for c in range(NCHUNKS)
    ]
    out = None
    for c, (ue, ie) in enumerate(embs):
        out = _tc_mlp(ue, ie, *wp, bf, nb_total, c * nb_chunk, carry=out,
                      block_b=BLOCK_B)
    return out.reshape(B)

# --- scband reference (transcript-rebuilt; emitter-appended) ---
"""Pipeline reference for scband-neu-mf-shared-20718922235968 (READ-ONLY COPY).

The authoritative reference and input builder live on the scoring server;
editing this copy changes nothing except your own understanding.
"""

import jax, jax.numpy as jnp
import numpy as np

B = 16384
V = 100000
D = 128


def setup_inputs(seed: int = 0) -> dict:
    key = jax.random.key(seed)
    ks = jax.random.split(key, 8)
    user = jax.random.randint(ks[0], (B,), 0, V, dtype=jnp.int64 if jax.config.jax_enable_x64 else jnp.int32)
    item = jax.random.randint(ks[1], (B,), 0, V, dtype=jnp.int64 if jax.config.jax_enable_x64 else jnp.int32)
    user_table = jax.random.normal(ks[2], (V, D), dtype=jnp.float32) * 0.01
    item_table = jax.random.normal(ks[3], (V, D), dtype=jnp.float32) * 0.01
    # torch Linear weights are [out_features, in_features]; xavier-normal-like init
    W1 = jax.random.normal(ks[4], (256, 2 * D), dtype=jnp.float32) * np.sqrt(2.0 / (256 + 2 * D))
    b1 = jnp.zeros((256,), dtype=jnp.float32)
    W2 = jax.random.normal(ks[5], (128, 256), dtype=jnp.float32) * np.sqrt(2.0 / (128 + 256))
    b2 = jnp.zeros((128,), dtype=jnp.float32)
    Wf = jax.random.normal(ks[6], (1, D + 128), dtype=jnp.float32) * np.sqrt(2.0 / (1 + D + 128))
    bf = jnp.zeros((1,), dtype=jnp.float32)
    return {"user": user, "item": item, "user_table": user_table, "item_table": item_table,
            "W1": W1, "b1": b1, "W2": W2, "b2": b2, "Wf": Wf, "bf": bf}


def reference(user, item, user_table, item_table, W1, b1, W2, b2, Wf, bf):
    # Embedding lookups (SparseCore gather)
    user_emb = jnp.take(user_table, user, axis=0)
    item_emb = jnp.take(item_table, item, axis=0)
    # GMF branch: elementwise product of shared embeddings
    gmf_out = user_emb * item_emb
    # MLP branch on concatenated embeddings (dropout is identity in eval mode)
    mlp_out = jnp.concatenate([user_emb, item_emb], axis=-1)
    mlp_out = jax.nn.relu(mlp_out @ W1.T + b1)
    mlp_out = jax.nn.relu(mlp_out @ W2.T + b2)
    # Fuse and score
    neumf_input = jnp.concatenate([gmf_out, mlp_out], axis=-1)
    output = neumf_input @ Wf.T + bf
    return jnp.squeeze(output, axis=-1)

if __name__ == "__main__":
    import jax
    _d = setup_inputs()
    print(jax.jit(kernel)(*tuple(_d.values())))

</pallas_src>

<mosaic_0001>
#map = affine_map<(d0, d1) -> (0, 0)>
#map1 = affine_map<(d0, d1) -> (0)>
module attributes {stable_mosaic.version = 14 : i64} {
  func.func @gather_kernel(%arg0: i32, %arg1: i32, %arg2: memref<100000x128xf32, #tpu.memory_space<hbm>>, %arg3: memref<100000x128xf32, #tpu.memory_space<hbm>>, %arg4: memref<16384xi32, #tpu.memory_space<hbm>>, %arg5: memref<16384xi32, #tpu.memory_space<hbm>>, %arg6: memref<8192x128xf32, #tpu.memory_space<hbm>>, %arg7: memref<8192x128xf32, #tpu.memory_space<hbm>>, %arg8: memref<256xi32, #tpu.memory_space<vmem>>, %arg9: memref<256xi32, #tpu.memory_space<vmem>>, %arg10: memref<256x128xf32, #tpu.memory_space<vmem>>, %arg11: memref<256x128xf32, #tpu.memory_space<vmem>>, %arg12: memref<2x!tpu.dma_semaphore, #tpu.memory_space<semaphore_mem>>, %arg13: memref<2x!tpu.dma_semaphore, #tpu.memory_space<semaphore_mem>>) attributes {dimension_semantics = [#tpu.dimension_semantics<core_parallel>, #tpu.dimension_semantics<subcore_parallel>], iteration_bounds = array<i64: 2, 16>, scalar_prefetch = 0 : i64, scratch_operands = 6 : i64, tpu.core_type = #tpu.core_type<sc_vector_subcore>, window_params = [{transform_indices = #map}, {transform_indices = #map}, {transform_indices = #map1}, {transform_indices = #map1}, {transform_indices = #map}, {transform_indices = #map}]} {
    %mul3A = arith.constant 2 : i32
    %mul3A_0 = arith.muli %arg1, %mul3A : i32
    %add3A = arith.addi %mul3A_0, %arg0 : i32
    %mul3A_1 = arith.constant 256 : i32
    %mul3A_2 = arith.muli %add3A, %mul3A_1 : i32
    %add3A_3 = arith.constant 0 : i32
    %add3A_4 = arith.addi %add3A_3, %mul3A_2 : i32
    %dma_start3A = arith.constant 0 : i32
    %dma_start3A_5 = tpu.memref_slice %arg4[%add3A_4] : memref<16384xi32, #tpu.memory_space<hbm>> -> memref<256xi32, #tpu.memory_space<hbm>>
    %dma_start3A_6 = tpu.memref_slice %arg12[%dma_start3A] : memref<2x!tpu.dma_semaphore, #tpu.memory_space<semaphore_mem>> -> memref<1x!tpu.dma_semaphore, #tpu.memory_space<semaphore_mem>>
    %dma_start3A_7 = tpu.memref_squeeze %dma_start3A_6 : memref<1x!tpu.dma_semaphore, #tpu.memory_space<semaphore_mem>> -> memref<!tpu.dma_semaphore, #tpu.memory_space<semaphore_mem>>
    %dma_start3A_8 = tpu.memref_slice %arg4[%add3A_4] : memref<16384xi32, #tpu.memory_space<hbm>> -> memref<256xi32, #tpu.memory_space<hbm>>
    tpu.enqueue_dma source(%dma_start3A_8 : memref<256xi32, #tpu.memory_space<hbm>>) target(%arg8 : memref<256xi32, #tpu.memory_space<vmem>>) target_semaphore(%dma_start3A_7 : memref<!tpu.dma_semaphore, #tpu.memory_space<semaphore_mem>>)
    %add3A_9 = arith.constant 0 : i32
    %add3A_10 = arith.addi %add3A_9, %mul3A_2 : i32
    %dma_start3A_11 = arith.constant 0 : i32
    %dma_start3A_12 = tpu.memref_slice %arg5[%add3A_10] : memref<16384xi32, #tpu.memory_space<hbm>> -> memref<256xi32, #tpu.memory_space<hbm>>
    %dma_start3A_13 = tpu.memref_slice %arg13[%dma_start3A_11] : memref<2x!tpu.dma_semaphore, #tpu.memory_space<semaphore_mem>> -> memref<1x!tpu.dma_semaphore, #tpu.memory_space<semaphore_mem>>
    %dma_start3A_14 = tpu.memref_squeeze %dma_start3A_13 : memref<1x!tpu.dma_semaphore, #tpu.memory_space<semaphore_mem>> -> memref<!tpu.dma_semaphore, #tpu.memory_space<semaphore_mem>>
    %dma_start3A_15 = tpu.memref_slice %arg5[%add3A_10] : memref<16384xi32, #tpu.memory_space<hbm>> -> memref<256xi32, #tpu.memory_space<hbm>>
    tpu.enqueue_dma source(%dma_start3A_15 : memref<256xi32, #tpu.memory_space<hbm>>) target(%arg9 : memref<256xi32, #tpu.memory_space<vmem>>) target_semaphore(%dma_start3A_14 : memref<!tpu.dma_semaphore, #tpu.memory_space<semaphore_mem>>)
    %dma_wait3A = arith.constant 0 : i32
    %dma_wait3A_16 = tpu.memref_slice %arg4[%add3A_4] : memref<16384xi32, #tpu.memory_space<hbm>> -> memref<256xi32, #tpu.memory_space<hbm>>
    %dma_wait3A_17 = tpu.memref_slice %arg12[%dma_wait3A] : memref<2x!tpu.dma_semaphore, #tpu.memory_space<semaphore_mem>> -> memref<1x!tpu.dma_semaphore, #tpu.memory_space<semaphore_mem>>
    %dma_wait3A_18 = tpu.memref_squeeze %dma_wait3A_17 : memref<1x!tpu.dma_semaphore, #tpu.memory_space<semaphore_mem>> -> memref<!tpu.dma_semaphore, #tpu.memory_space<semaphore_mem>>
    %dma_wait3A_19 = tpu.memref_slice %arg4[%add3A_4] : memref<16384xi32, #tpu.memory_space<hbm>> -> memref<256xi32, #tpu.memory_space<hbm>>
    tpu.wait_dma2 semaphore(%dma_wait3A_18 : memref<!tpu.dma_semaphore, #tpu.memory_space<semaphore_mem>>) src(%dma_wait3A_19 : memref<256xi32, #tpu.memory_space<hbm>>) dst(%arg8 : memref<256xi32, #tpu.memory_space<vmem>>)
    %dma_wait3A_20 = arith.constant 0 : i32
    %dma_wait3A_21 = tpu.memref_slice %arg5[%add3A_10] : memref<16384xi32, #tpu.memory_space<hbm>> -> memref<256xi32, #tpu.memory_space<hbm>>
    %dma_wait3A_22 = tpu.memref_slice %arg13[%dma_wait3A_20] : memref<2x!tpu.dma_semaphore, #tpu.memory_space<semaphore_mem>> -> memref<1x!tpu.dma_semaphore, #tpu.memory_space<semaphore_mem>>
    %dma_wait3A_23 = tpu.memref_squeeze %dma_wait3A_22 : memref<1x!tpu.dma_semaphore, #tpu.memory_space<semaphore_mem>> -> memref<!tpu.dma_semaphore, #tpu.memory_space<semaphore_mem>>
    %dma_wait3A_24 = tpu.memref_slice %arg5[%add3A_10] : memref<16384xi32, #tpu.memory_space<hbm>> -> memref<256xi32, #tpu.memory_space<hbm>>
    tpu.wait_dma2 semaphore(%dma_wait3A_23 : memref<!tpu.dma_semaphore, #tpu.memory_space<semaphore_mem>>) src(%dma_wait3A_24 : memref<256xi32, #tpu.memory_space<hbm>>) dst(%arg9 : memref<256xi32, #tpu.memory_space<vmem>>)
    %dma_start3A_25 = arith.constant 0 : i32
    %dma_start3A_26 = arith.constant 0 : i32
    %dma_start3A_27 = arith.constant 0 : i32
    %dma_start3A_28 = tpu.memref_slice %arg10[%dma_start3A_26, %dma_start3A_27] : memref<256x128xf32, #tpu.memory_space<vmem>> -> memref<128x128xf32, #tpu.memory_space<vmem>>
    %dma_start3A_29 = arith.constant 0 : i32
    %dma_start3A_30 = tpu.memref_slice %arg8[%dma_start3A_29] : memref<256xi32, #tpu.memory_space<vmem>> -> memref<128xi32, #tpu.memory_space<vmem>>
    %dma_start3A_31 = arith.constant 0 : i32
    %dma_start3A_32 = arith.constant 0 : i32
    %dma_start3A_33 = tpu.memref_slice %arg2[%dma_start3A_31, %dma_start3A_32] : memref<100000x128xf32, #tpu.memory_space<hbm>> -> memref<100000x128xf32, #tpu.memory_space<hbm>>
    %dma_start3A_34 = tpu.memref_slice %arg12[%dma_start3A_25] : memref<2x!tpu.dma_semaphore, #tpu.memory_space<semaphore_mem>> -> memref<1x!tpu.dma_semaphore, #tpu.memory_space<semaphore_mem>>
    %dma_start3A_35 = tpu.memref_squeeze %dma_start3A_34 : memref<1x!tpu.dma_semaphore, #tpu.memory_space<semaphore_mem>> -> memref<!tpu.dma_semaphore, #tpu.memory_space<semaphore_mem>>
    tpu.enqueue_indirect_dma source(%dma_start3A_33 : memref<100000x128xf32, #tpu.memory_space<hbm>>) target(%dma_start3A_28 : memref<128x128xf32, #tpu.memory_space<vmem>>) offsets(%dma_start3A_30 : memref<128xi32, #tpu.memory_space<vmem>>) semaphore(%dma_start3A_35 : memref<!tpu.dma_semaphore, #tpu.memory_space<semaphore_mem>>)
    %dma_start3A_36 = arith.constant 0 : i32
    %dma_start3A_37 = arith.constant 0 : i32
    %dma_start3A_38 = arith.constant 0 : i32
    %dma_start3A_39 = tpu.memref_slice %arg11[%dma_start3A_37, %dma_start3A_38] : memref<256x128xf32, #tpu.memory_space<vmem>> -> memref<128x128xf32, #tpu.memory_space<vmem>>
    %dma_start3A_40 = arith.constant 0 : i32
    %dma_start3A_41 = tpu.memref_slice %arg9[%dma_start3A_40] : memref<256xi32, #tpu.memory_space<vmem>> -> memref<128xi32, #tpu.memory_space<vmem>>
    %dma_start3A_42 = arith.constant 0 : i32
    %dma_start3A_43 = arith.constant 0 : i32
    %dma_start3A_44 = tpu.memref_slice %arg3[%dma_start3A_42, %dma_start3A_43] : memref<100000x128xf32, #tpu.memory_space<hbm>> -> memref<100000x128xf32, #tpu.memory_space<hbm>>
    %dma_start3A_45 = tpu.memref_slice %arg13[%dma_start3A_36] : memref<2x!tpu.dma_semaphore, #tpu.memory_space<semaphore_mem>> -> memref<1x!tpu.dma_semaphore, #tpu.memory_space<semaphore_mem>>
    %dma_start3A_46 = tpu.memref_squeeze %dma_start3A_45 : memref<1x!tpu.dma_semaphore, #tpu.memory_space<semaphore_mem>> -> memref<!tpu.dma_semaphore, #tpu.memory_space<semaphore_mem>>
    tpu.enqueue_indirect_dma source(%dma_start3A_44 : memref<100000x128xf32, #tpu.memory_space<hbm>>) target(%dma_start3A_39 : memref<128x128xf32, #tpu.memory_space<vmem>>) offsets(%dma_start3A_41 : memref<128xi32, #tpu.memory_space<vmem>>) semaphore(%dma_start3A_46 : memref<!tpu.dma_semaphore, #tpu.memory_space<semaphore_mem>>)
    %dma_start3A_47 = arith.constant 1 : i32
    %dma_start3A_48 = arith.constant 128 : i32
    %dma_start3A_49 = arith.constant 0 : i32
    %dma_start3A_50 = tpu.memref_slice %arg10[%dma_start3A_48, %dma_start3A_49] : memref<256x128xf32, #tpu.memory_space<vmem>> -> memref<128x128xf32, #tpu.memory_space<vmem>>
    %dma_start3A_51 = arith.constant 128 : i32
    %dma_start3A_52 = tpu.memref_slice %arg8[%dma_start3A_51] : memref<256xi32, #tpu.memory_space<vmem>> -> memref<128xi32, #tpu.memory_space<vmem>>
    %dma_start3A_53 = arith.constant 0 : i32
    %dma_start3A_54 = arith.constant 0 : i32
    %dma_start3A_55 = tpu.memref_slice %arg2[%dma_start3A_53, %dma_start3A_54] : memref<100000x128xf32, #tpu.memory_space<hbm>> -> memref<100000x128xf32, #tpu.memory_space<hbm>>
    %dma_start3A_56 = tpu.memref_slice %arg12[%dma_start3A_47] : memref<2x!tpu.dma_semaphore, #tpu.memory_space<semaphore_mem>> -> memref<1x!tpu.dma_semaphore, #tpu.memory_space<semaphore_mem>>
    %dma_start3A_57 = tpu.memref_squeeze %dma_start3A_56 : memref<1x!tpu.dma_semaphore, #tpu.memory_space<semaphore_mem>> -> memref<!tpu.dma_semaphore, #tpu.memory_space<semaphore_mem>>
    tpu.enqueue_indirect_dma source(%dma_start3A_55 : memref<100000x128xf32, #tpu.memory_space<hbm>>) target(%dma_start3A_50 : memref<128x128xf32, #tpu.memory_space<vmem>>) offsets(%dma_start3A_52 : memref<128xi32, #tpu.memory_space<vmem>>) semaphore(%dma_start3A_57 : memref<!tpu.dma_semaphore, #tpu.memory_space<semaphore_mem>>)
    %dma_start3A_58 = arith.constant 1 : i32
    %dma_start3A_59 = arith.constant 128 : i32
    %dma_start3A_60 = arith.constant 0 : i32
    %dma_start3A_61 = tpu.memref_slice %arg11[%dma_start3A_59, %dma_start3A_60] : memref<256x128xf32, #tpu.memory_space<vmem>> -> memref<128x128xf32, #tpu.memory_space<vmem>>
    %dma_start3A_62 = arith.constant 128 : i32
    %dma_start3A_63 = tpu.memref_slice %arg9[%dma_start3A_62] : memref<256xi32, #tpu.memory_space<vmem>> -> memref<128xi32, #tpu.memory_space<vmem>>
    %dma_start3A_64 = arith.constant 0 : i32
    %dma_start3A_65 = arith.constant 0 : i32
    %dma_start3A_66 = tpu.memref_slice %arg3[%dma_start3A_64, %dma_start3A_65] : memref<100000x128xf32, #tpu.memory_space<hbm>> -> memref<100000x128xf32, #tpu.memory_space<hbm>>
    %dma_start3A_67 = tpu.memref_slice %arg13[%dma_start3A_58] : memref<2x!tpu.dma_semaphore, #tpu.memory_space<semaphore_mem>> -> memref<1x!tpu.dma_semaphore, #tpu.memory_space<semaphore_mem>>
    %dma_start3A_68 = tpu.memref_squeeze %dma_start3A_67 : memref<1x!tpu.dma_semaphore, #tpu.memory_space<semaphore_mem>> -> memref<!tpu.dma_semaphore, #tpu.memory_space<semaphore_mem>>
    tpu.enqueue_indirect_dma source(%dma_start3A_66 : memref<100000x128xf32, #tpu.memory_space<hbm>>) target(%dma_start3A_61 : memref<128x128xf32, #tpu.memory_space<vmem>>) offsets(%dma_start3A_63 : memref<128xi32, #tpu.memory_space<vmem>>) semaphore(%dma_start3A_68 : memref<!tpu.dma_semaphore, #tpu.memory_space<semaphore_mem>>)
    %add3A_69 = arith.constant 0 : i32
    %add3A_70 = arith.addi %mul3A_2, %add3A_69 : i32
    %dma_wait3A_71 = arith.constant 0 : i32
    %dma_wait3A_72 = arith.constant 0 : i32
    %dma_wait3A_73 = arith.constant 0 : i32
    %dma_wait3A_74 = tpu.memref_slice %arg10[%dma_wait3A_72, %dma_wait3A_73] : memref<256x128xf32, #tpu.memory_space<vmem>> -> memref<128x128xf32, #tpu.memory_space<vmem>>
    %dma_wait3A_75 = arith.constant 0 : i32
    %dma_wait3A_76 = tpu.memref_slice %arg8[%dma_wait3A_75] : memref<256xi32, #tpu.memory_space<vmem>> -> memref<128xi32, #tpu.memory_space<vmem>>
    %dma_wait3A_77 = arith.constant 0 : i32
    %dma_wait3A_78 = arith.constant 0 : i32
    %dma_wait3A_79 = tpu.memref_slice %arg2[%dma_wait3A_77, %dma_wait3A_78] : memref<100000x128xf32, #tpu.memory_space<hbm>> -> memref<100000x128xf32, #tpu.memory_space<hbm>>
    %dma_wait3A_80 = tpu.memref_slice %arg12[%dma_wait3A_71] : memref<2x!tpu.dma_semaphore, #tpu.memory_space<semaphore_mem>> -> memref<1x!tpu.dma_semaphore, #tpu.memory_space<semaphore_mem>>
    %dma_wait3A_81 = tpu.memref_squeeze %dma_wait3A_80 : memref<1x!tpu.dma_semaphore, #tpu.memory_space<semaphore_mem>> -> memref<!tpu.dma_semaphore, #tpu.memory_space<semaphore_mem>>
    tpu.wait_indirect_dma semaphore(%dma_wait3A_81 : memref<!tpu.dma_semaphore, #tpu.memory_space<semaphore_mem>>) src(%dma_wait3A_79 : memref<100000x128xf32, #tpu.memory_space<hbm>>) dst(%dma_wait3A_74 : memref<128x128xf32, #tpu.memory_space<vmem>>)
    %dma_start3A_82 = arith.constant 0 : i32
    %dma_start3A_83 = arith.constant 0 : i32
    %dma_start3A_84 = arith.constant 0 : i32
    %dma_start3A_85 = tpu.memref_slice %arg10[%dma_start3A_83, %dma_start3A_84] : memref<256x128xf32, #tpu.memory_space<vmem>> -> memref<128x128xf32, #tpu.memory_space<vmem>>
    %dma_start3A_86 = arith.constant 0 : i32
    %dma_start3A_87 = tpu.memref_slice %arg6[%add3A_70, %dma_start3A_86] : memref<8192x128xf32, #tpu.memory_space<hbm>> -> memref<128x128xf32, #tpu.memory_space<hbm>>
    %dma_start3A_88 = tpu.memref_slice %arg12[%dma_start3A_82] : memref<2x!tpu.dma_semaphore, #tpu.memory_space<semaphore_mem>> -> memref<1x!tpu.dma_semaphore, #tpu.memory_space<semaphore_mem>>
    %dma_start3A_89 = tpu.memref_squeeze %dma_start3A_88 : memref<1x!tpu.dma_semaphore, #tpu.memory_space<semaphore_mem>> -> memref<!tpu.dma_semaphore, #tpu.memory_space<semaphore_mem>>
    %dma_start3A_90 = arith.constant 0 : i32
    %dma_start3A_91 = tpu.memref_slice %arg6[%add3A_70, %dma_start3A_90] : memref<8192x128xf32, #tpu.memory_space<hbm>> -> memref<128x128xf32, #tpu.memory_space<hbm>>
    %dma_start3A_92 = arith.constant 0 : i32
    %dma_start3A_93 = arith.constant 0 : i32
    %dma_start3A_94 = tpu.memref_slice %arg10[%dma_start3A_92, %dma_start3A_93] : memref<256x128xf32, #tpu.memory_space<vmem>> -> memref<128x128xf32, #tpu.memory_space<vmem>>
    tpu.enqueue_dma source(%dma_start3A_94 : memref<128x128xf32, #tpu.memory_space<vmem>>) target(%dma_start3A_91 : memref<128x128xf32, #tpu.memory_space<hbm>>) target_semaphore(%dma_start3A_89 : memref<!tpu.dma_semaphore, #tpu.memory_space<semaphore_mem>>)
    %dma_wait3A_95 = arith.constant 0 : i32
    %dma_wait3A_96 = arith.constant 0 : i32
    %dma_wait3A_97 = arith.constant 0 : i32
    %dma_wait3A_98 = tpu.memref_slice %arg11[%dma_wait3A_96, %dma_wait3A_97] : memref<256x128xf32, #tpu.memory_space<vmem>> -> memref<128x128xf32, #tpu.memory_space<vmem>>
    %dma_wait3A_99 = arith.constant 0 : i32
    %dma_wait3A_100 = tpu.memref_slice %arg9[%dma_wait3A_99] : memref<256xi32, #tpu.memory_space<vmem>> -> memref<128xi32, #tpu.memory_space<vmem>>
    %dma_wait3A_101 = arith.constant 0 : i32
    %dma_wait3A_102 = arith.constant 0 : i32
    %dma_wait3A_103 = tpu.memref_slice %arg3[%dma_wait3A_101, %dma_wait3A_102] : memref<100000x128xf32, #tpu.memory_space<hbm>> -> memref<100000x128xf32, #tpu.memory_space<hbm>>
    %dma_wait3A_104 = tpu.memref_slice %arg13[%dma_wait3A_95] : memref<2x!tpu.dma_semaphore, #tpu.memory_space<semaphore_mem>> -> memref<1x!tpu.dma_semaphore, #tpu.memory_space<semaphore_mem>>
    %dma_wait3A_105 = tpu.memref_squeeze %dma_wait3A_104 : memref<1x!tpu.dma_semaphore, #tpu.memory_space<semaphore_mem>> -> memref<!tpu.dma_semaphore, #tpu.memory_space<semaphore_mem>>
    tpu.wait_indirect_dma semaphore(%dma_wait3A_105 : memref<!tpu.dma_semaphore, #tpu.memory_space<semaphore_mem>>) src(%dma_wait3A_103 : memref<100000x128xf32, #tpu.memory_space<hbm>>) dst(%dma_wait3A_98 : memref<128x128xf32, #tpu.memory_space<vmem>>)
    %dma_start3A_106 = arith.constant 0 : i32
    %dma_start3A_107 = arith.constant 0 : i32
    %dma_start3A_108 = arith.constant 0 : i32
    %dma_start3A_109 = tpu.memref_slice %arg11[%dma_start3A_107, %dma_start3A_108] : memref<256x128xf32, #tpu.memory_space<vmem>> -> memref<128x128xf32, #tpu.memory_space<vmem>>
    %dma_start3A_110 = arith.constant 0 : i32
    %dma_start3A_111 = tpu.memref_slice %arg7[%add3A_70, %dma_start3A_110] : memref<8192x128xf32, #tpu.memory_space<hbm>> -> memref<128x128xf32, #tpu.memory_space<hbm>>
    %dma_start3A_112 = tpu.memref_slice %arg13[%dma_start3A_106] : memref<2x!tpu.dma_semaphore, #tpu.memory_space<semaphore_mem>> -> memref<1x!tpu.dma_semaphore, #tpu.memory_space<semaphore_mem>>
    %dma_start3A_113 = tpu.memref_squeeze %dma_start3A_112 : memref<1x!tpu.dma_semaphore, #tpu.memory_space<semaphore_mem>> -> memref<!tpu.dma_semaphore, #tpu.memory_space<semaphore_mem>>
    %dma_start3A_114 = arith.constant 0 : i32
    %dma_start3A_115 = tpu.memref_slice %arg7[%add3A_70, %dma_start3A_114] : memref<8192x128xf32, #tpu.memory_space<hbm>> -> memref<128x128xf32, #tpu.memory_space<hbm>>
    %dma_start3A_116 = arith.constant 0 : i32
    %dma_start3A_117 = arith.constant 0 : i32
    %dma_start3A_118 = tpu.memref_slice %arg11[%dma_start3A_116, %dma_start3A_117] : memref<256x128xf32, #tpu.memory_space<vmem>> -> memref<128x128xf32, #tpu.memory_space<vmem>>
    tpu.enqueue_dma source(%dma_start3A_118 : memref<128x128xf32, #tpu.memory_space<vmem>>) target(%dma_start3A_115 : memref<128x128xf32, #tpu.memory_space<hbm>>) target_semaphore(%dma_start3A_113 : memref<!tpu.dma_semaphore, #tpu.memory_space<semaphore_mem>>)
    %add3A_119 = arith.constant 128 : i32
    %add3A_120 = arith.addi %mul3A_2, %add3A_119 : i32
    %dma_wait3A_121 = arith.constant 1 : i32
    %dma_wait3A_122 = arith.constant 128 : i32
    %dma_wait3A_123 = arith.constant 0 : i32
    %dma_wait3A_124 = tpu.memref_slice %arg10[%dma_wait3A_122, %dma_wait3A_123] : memref<256x128xf32, #tpu.memory_space<vmem>> -> memref<128x128xf32, #tpu.memory_space<vmem>>
    %dma_wait3A_125 = arith.constant 128 : i32
    %dma_wait3A_126 = tpu.memref_slice %arg8[%dma_wait3A_125] : memref<256xi32, #tpu.memory_space<vmem>> -> memref<128xi32, #tpu.memory_space<vmem>>
    %dma_wait3A_127 = arith.constant 0 : i32
    %dma_wait3A_128 = arith.constant 0 : i32
    %dma_wait3A_129 = tpu.memref_slice %arg2[%dma_wait3A_127, %dma_wait3A_128] : memref<100000x128xf32, #tpu.memory_space<hbm>> -> memref<100000x128xf32, #tpu.memory_space<hbm>>
    %dma_wait3A_130 = tpu.memref_slice %arg12[%dma_wait3A_121] : memref<2x!tpu.dma_semaphore, #tpu.memory_space<semaphore_mem>> -> memref<1x!tpu.dma_semaphore, #tpu.memory_space<semaphore_mem>>
    %dma_wait3A_131 = tpu.memref_squeeze %dma_wait3A_130 : memref<1x!tpu.dma_semaphore, #tpu.memory_space<semaphore_mem>> -> memref<!tpu.dma_semaphore, #tpu.memory_space<semaphore_mem>>
    tpu.wait_indirect_dma semaphore(%dma_wait3A_131 : memref<!tpu.dma_semaphore, #tpu.memory_space<semaphore_mem>>) src(%dma_wait3A_129 : memref<100000x128xf32, #tpu.memory_space<hbm>>) dst(%dma_wait3A_124 : memref<128x128xf32, #tpu.memory_space<vmem>>)
    %dma_start3A_132 = arith.constant 1 : i32
    %dma_start3A_133 = arith.constant 128 : i32
    %dma_start3A_134 = arith.constant 0 : i32
    %dma_start3A_135 = tpu.memref_slice %arg10[%dma_start3A_133, %dma_start3A_134] : memref<256x128xf32, #tpu.memory_space<vmem>> -> memref<128x128xf32, #tpu.memory_space<vmem>>
    %dma_start3A_136 = arith.constant 0 : i32
    %dma_start3A_137 = tpu.memref_slice %arg6[%add3A_120, %dma_start3A_136] : memref<8192x128xf32, #tpu.memory_space<hbm>> -> memref<128x128xf32, #tpu.memory_space<hbm>>
    %dma_start3A_138 = tpu.memref_slice %arg12[%dma_start3A_132] : memref<2x!tpu.dma_semaphore, #tpu.memory_space<semaphore_mem>> -> memref<1x!tpu.dma_semaphore, #tpu.memory_space<semaphore_mem>>
    %dma_start3A_139 = tpu.memref_squeeze %dma_start3A_138 : memref<1x!tpu.dma_semaphore, #tpu.memory_space<semaphore_mem>> -> memref<!tpu.dma_semaphore, #tpu.memory_space<semaphore_mem>>
    %dma_start3A_140 = arith.constant 0 : i32
    %dma_start3A_141 = tpu.memref_slice %arg6[%add3A_120, %dma_start3A_140] : memref<8192x128xf32, #tpu.memory_space<hbm>> -> memref<128x128xf32, #tpu.memory_space<hbm>>
    %dma_start3A_142 = arith.constant 128 : i32
    %dma_start3A_143 = arith.constant 0 : i32
    %dma_start3A_144 = tpu.memref_slice %arg10[%dma_start3A_142, %dma_start3A_143] : memref<256x128xf32, #tpu.memory_space<vmem>> -> memref<128x128xf32, #tpu.memory_space<vmem>>
    tpu.enqueue_dma source(%dma_start3A_144 : memref<128x128xf32, #tpu.memory_space<vmem>>) target(%dma_start3A_141 : memref<128x128xf32, #tpu.memory_space<hbm>>) target_semaphore(%dma_start3A_139 : memref<!tpu.dma_semaphore, #tpu.memory_space<semaphore_mem>>)
    %dma_wait3A_145 = arith.constant 1 : i32
    %dma_wait3A_146 = arith.constant 128 : i32
    %dma_wait3A_147 = arith.constant 0 : i32
    %dma_wait3A_148 = tpu.memref_slice %arg11[%dma_wait3A_146, %dma_wait3A_147] : memref<256x128xf32, #tpu.memory_space<vmem>> -> memref<128x128xf32, #tpu.memory_space<vmem>>
    %dma_wait3A_149 = arith.constant 128 : i32
    %dma_wait3A_150 = tpu.memref_slice %arg9[%dma_wait3A_149] : memref<256xi32, #tpu.memory_space<vmem>> -> memref<128xi32, #tpu.memory_space<vmem>>
    %dma_wait3A_151 = arith.constant 0 : i32
    %dma_wait3A_152 = arith.constant 0 : i32
    %dma_wait3A_153 = tpu.memref_slice %arg3[%dma_wait3A_151, %dma_wait3A_152] : memref<100000x128xf32, #tpu.memory_space<hbm>> -> memref<100000x128xf32, #tpu.memory_space<hbm>>
    %dma_wait3A_154 = tpu.memref_slice %arg13[%dma_wait3A_145] : memref<2x!tpu.dma_semaphore, #tpu.memory_space<semaphore_mem>> -> memref<1x!tpu.dma_semaphore, #tpu.memory_space<semaphore_mem>>
    %dma_wait3A_155 = tpu.memref_squeeze %dma_wait3A_154 : memref<1x!tpu.dma_semaphore, #tpu.memory_space<semaphore_mem>> -> memref<!tpu.dma_semaphore, #tpu.memory_space<semaphore_mem>>
    tpu.wait_indirect_dma semaphore(%dma_wait3A_155 : memref<!tpu.dma_semaphore, #tpu.memory_space<semaphore_mem>>) src(%dma_wait3A_153 : memref<100000x128xf32, #tpu.memory_space<hbm>>) dst(%dma_wait3A_148 : memref<128x128xf32, #tpu.memory_space<vmem>>)
    %dma_start3A_156 = arith.constant 1 : i32
    %dma_start3A_157 = arith.constant 128 : i32
    %dma_start3A_158 = arith.constant 0 : i32
    %dma_start3A_159 = tpu.memref_slice %arg11[%dma_start3A_157, %dma_start3A_158] : memref<256x128xf32, #tpu.memory_space<vmem>> -> memref<128x128xf32, #tpu.memory_space<vmem>>
    %dma_start3A_160 = arith.constant 0 : i32
    %dma_start3A_161 = tpu.memref_slice %arg7[%add3A_120, %dma_start3A_160] : memref<8192x128xf32, #tpu.memory_space<hbm>> -> memref<128x128xf32, #tpu.memory_space<hbm>>
    %dma_start3A_162 = tpu.memref_slice %arg13[%dma_start3A_156] : memref<2x!tpu.dma_semaphore, #tpu.memory_space<semaphore_mem>> -> memref<1x!tpu.dma_semaphore, #tpu.memory_space<semaphore_mem>>
    %dma_start3A_163 = tpu.memref_squeeze %dma_start3A_162 : memref<1x!tpu.dma_semaphore, #tpu.memory_space<semaphore_mem>> -> memref<!tpu.dma_semaphore, #tpu.memory_space<semaphore_mem>>
    %dma_start3A_164 = arith.constant 0 : i32
    %dma_start3A_165 = tpu.memref_slice %arg7[%add3A_120, %dma_start3A_164] : memref<8192x128xf32, #tpu.memory_space<hbm>> -> memref<128x128xf32, #tpu.memory_space<hbm>>
    %dma_start3A_166 = arith.constant 128 : i32
    %dma_start3A_167 = arith.constant 0 : i32
    %dma_start3A_168 = tpu.memref_slice %arg11[%dma_start3A_166, %dma_start3A_167] : memref<256x128xf32, #tpu.memory_space<vmem>> -> memref<128x128xf32, #tpu.memory_space<vmem>>
    tpu.enqueue_dma source(%dma_start3A_168 : memref<128x128xf32, #tpu.memory_space<vmem>>) target(%dma_start3A_165 : memref<128x128xf32, #tpu.memory_space<hbm>>) target_semaphore(%dma_start3A_163 : memref<!tpu.dma_semaphore, #tpu.memory_space<semaphore_mem>>)
    %dma_wait3A_169 = arith.constant 0 : i32
    %dma_wait3A_170 = arith.constant 0 : i32
    %dma_wait3A_171 = arith.constant 0 : i32
    %dma_wait3A_172 = tpu.memref_slice %arg10[%dma_wait3A_170, %dma_wait3A_171] : memref<256x128xf32, #tpu.memory_space<vmem>> -> memref<128x128xf32, #tpu.memory_space<vmem>>
    %dma_wait3A_173 = arith.constant 0 : i32
    %dma_wait3A_174 = tpu.memref_slice %arg6[%add3A_70, %dma_wait3A_173] : memref<8192x128xf32, #tpu.memory_space<hbm>> -> memref<128x128xf32, #tpu.memory_space<hbm>>
    %dma_wait3A_175 = tpu.memref_slice %arg12[%dma_wait3A_169] : memref<2x!tpu.dma_semaphore, #tpu.memory_space<semaphore_mem>> -> memref<1x!tpu.dma_semaphore, #tpu.memory_space<semaphore_mem>>
    %dma_wait3A_176 = tpu.memref_squeeze %dma_wait3A_175 : memref<1x!tpu.dma_semaphore, #tpu.memory_space<semaphore_mem>> -> memref<!tpu.dma_semaphore, #tpu.memory_space<semaphore_mem>>
    %dma_wait3A_177 = arith.constant 0 : i32
    %dma_wait3A_178 = tpu.memref_slice %arg6[%add3A_70, %dma_wait3A_177] : memref<8192x128xf32, #tpu.memory_space<hbm>> -> memref<128x128xf32, #tpu.memory_space<hbm>>
    %dma_wait3A_179 = arith.constant 0 : i32
    %dma_wait3A_180 = arith.constant 0 : i32
    %dma_wait3A_181 = tpu.memref_slice %arg10[%dma_wait3A_179, %dma_wait3A_180] : memref<256x128xf32, #tpu.memory_space<vmem>> -> memref<128x128xf32, #tpu.memory_space<vmem>>
    tpu.wait_dma2 semaphore(%dma_wait3A_176 : memref<!tpu.dma_semaphore, #tpu.memory_space<semaphore_mem>>) src(%dma_wait3A_181 : memref<128x128xf32, #tpu.memory_space<vmem>>) dst(%dma_wait3A_178 : memref<128x128xf32, #tpu.memory_space<hbm>>)
    %dma_wait3A_182 = arith.constant 0 : i32
    %dma_wait3A_183 = arith.constant 0 : i32
    %dma_wait3A_184 = arith.constant 0 : i32
    %dma_wait3A_185 = tpu.memref_slice %arg11[%dma_wait3A_183, %dma_wait3A_184] : memref<256x128xf32, #tpu.memory_space<vmem>> -> memref<128x128xf32, #tpu.memory_space<vmem>>
    %dma_wait3A_186 = arith.constant 0 : i32
    %dma_wait3A_187 = tpu.memref_slice %arg7[%add3A_70, %dma_wait3A_186] : memref<8192x128xf32, #tpu.memory_space<hbm>> -> memref<128x128xf32, #tpu.memory_space<hbm>>
    %dma_wait3A_188 = tpu.memref_slice %arg13[%dma_wait3A_182] : memref<2x!tpu.dma_semaphore, #tpu.memory_space<semaphore_mem>> -> memref<1x!tpu.dma_semaphore, #tpu.memory_space<semaphore_mem>>
    %dma_wait3A_189 = tpu.memref_squeeze %dma_wait3A_188 : memref<1x!tpu.dma_semaphore, #tpu.memory_space<semaphore_mem>> -> memref<!tpu.dma_semaphore, #tpu.memory_space<semaphore_mem>>
    %dma_wait3A_190 = arith.constant 0 : i32
    %dma_wait3A_191 = tpu.memref_slice %arg7[%add3A_70, %dma_wait3A_190] : memref<8192x128xf32, #tpu.memory_space<hbm>> -> memref<128x128xf32, #tpu.memory_space<hbm>>
    %dma_wait3A_192 = arith.constant 0 : i32
    %dma_wait3A_193 = arith.constant 0 : i32
    %dma_wait3A_194 = tpu.memref_slice %arg11[%dma_wait3A_192, %dma_wait3A_193] : memref<256x128xf32, #tpu.memory_space<vmem>> -> memref<128x128xf32, #tpu.memory_space<vmem>>
    tpu.wait_dma2 semaphore(%dma_wait3A_189 : memref<!tpu.dma_semaphore, #tpu.memory_space<semaphore_mem>>) src(%dma_wait3A_194 : memref<128x128xf32, #tpu.memory_space<vmem>>) dst(%dma_wait3A_191 : memref<128x128xf32, #tpu.memory_space<hbm>>)
    %dma_wait3A_195 = arith.constant 1 : i32
    %dma_wait3A_196 = arith.constant 128 : i32
    %dma_wait3A_197 = arith.constant 0 : i32
    %dma_wait3A_198 = tpu.memref_slice %arg10[%dma_wait3A_196, %dma_wait3A_197] : memref<256x128xf32, #tpu.memory_space<vmem>> -> memref<128x128xf32, #tpu.memory_space<vmem>>
    %dma_wait3A_199 = arith.constant 0 : i32
    %dma_wait3A_200 = tpu.memref_slice %arg6[%add3A_120, %dma_wait3A_199] : memref<8192x128xf32, #tpu.memory_space<hbm>> -> memref<128x128xf32, #tpu.memory_space<hbm>>
    %dma_wait3A_201 = tpu.memref_slice %arg12[%dma_wait3A_195] : memref<2x!tpu.dma_semaphore, #tpu.memory_space<semaphore_mem>> -> memref<1x!tpu.dma_semaphore, #tpu.memory_space<semaphore_mem>>
    %dma_wait3A_202 = tpu.memref_squeeze %dma_wait3A_201 : memref<1x!tpu.dma_semaphore, #tpu.memory_space<semaphore_mem>> -> memref<!tpu.dma_semaphore, #tpu.memory_space<semaphore_mem>>
    %dma_wait3A_203 = arith.constant 0 : i32
    %dma_wait3A_204 = tpu.memref_slice %arg6[%add3A_120, %dma_wait3A_203] : memref<8192x128xf32, #tpu.memory_space<hbm>> -> memref<128x128xf32, #tpu.memory_space<hbm>>
    %dma_wait3A_205 = arith.constant 128 : i32
    %dma_wait3A_206 = arith.constant 0 : i32
    %dma_wait3A_207 = tpu.memref_slice %arg10[%dma_wait3A_205, %dma_wait3A_206] : memref<256x128xf32, #tpu.memory_space<vmem>> -> memref<128x128xf32, #tpu.memory_space<vmem>>
    tpu.wait_dma2 semaphore(%dma_wait3A_202 : memref<!tpu.dma_semaphore, #tpu.memory_space<semaphore_mem>>) src(%dma_wait3A_207 : memref<128x128xf32, #tpu.memory_space<vmem>>) dst(%dma_wait3A_204 : memref<128x128xf32, #tpu.memory_space<hbm>>)
    %dma_wait3A_208 = arith.constant 1 : i32
    %dma_wait3A_209 = arith.constant 128 : i32
    %dma_wait3A_210 = arith.constant 0 : i32
    %dma_wait3A_211 = tpu.memref_slice %arg11[%dma_wait3A_209, %dma_wait3A_210] : memref<256x128xf32, #tpu.memory_space<vmem>> -> memref<128x128xf32, #tpu.memory_space<vmem>>
    %dma_wait3A_212 = arith.constant 0 : i32
    %dma_wait3A_213 = tpu.memref_slice %arg7[%add3A_120, %dma_wait3A_212] : memref<8192x128xf32, #tpu.memory_space<hbm>> -> memref<128x128xf32, #tpu.memory_space<hbm>>
    %dma_wait3A_214 = tpu.memref_slice %arg13[%dma_wait3A_208] : memref<2x!tpu.dma_semaphore, #tpu.memory_space<semaphore_mem>> -> memref<1x!tpu.dma_semaphore, #tpu.memory_space<semaphore_mem>>
    %dma_wait3A_215 = tpu.memref_squeeze %dma_wait3A_214 : memref<1x!tpu.dma_semaphore, #tpu.memory_space<semaphore_mem>> -> memref<!tpu.dma_semaphore, #tpu.memory_space<semaphore_mem>>
    %dma_wait3A_216 = arith.constant 0 : i32
    %dma_wait3A_217 = tpu.memref_slice %arg7[%add3A_120, %dma_wait3A_216] : memref<8192x128xf32, #tpu.memory_space<hbm>> -> memref<128x128xf32, #tpu.memory_space<hbm>>
    %dma_wait3A_218 = arith.constant 128 : i32
    %dma_wait3A_219 = arith.constant 0 : i32
    %dma_wait3A_220 = tpu.memref_slice %arg11[%dma_wait3A_218, %dma_wait3A_219] : memref<256x128xf32, #tpu.memory_space<vmem>> -> memref<128x128xf32, #tpu.memory_space<vmem>>
    tpu.wait_dma2 semaphore(%dma_wait3A_215 : memref<!tpu.dma_semaphore, #tpu.memory_space<semaphore_mem>>) src(%dma_wait3A_220 : memref<128x128xf32, #tpu.memory_space<vmem>>) dst(%dma_wait3A_217 : memref<128x128xf32, #tpu.memory_space<hbm>>)
    return
  }
}

#map = affine_map<(d0, d1) -> (0, 0)>
#map1 = affine_map<(d0, d1) -> (0)>
module attributes {stable_mosaic.version = 14 : i64} {
  func.func @gather_kernel(%arg0: i32, %arg1: i32, %arg2: memref<100000x128xf32, #tpu.memory_space<hbm>>, %arg3: memref<100000x128xf32, #tpu.memory_space<hbm>>, %arg4: memref<16384xi32, #tpu.memory_space<hbm>>, %arg5: memref<16384xi32, #tpu.memory_space<hbm>>, %arg6: memref<8192x128xf32, #tpu.memory_space<hbm>>, %arg7: memref<8192x128xf32, #tpu.memory_space<hbm>>, %arg8: memref<256xi32, #tpu.memory_space<vmem>>, %arg9: memref<256xi32, #tpu.memory_space<vmem>>, %arg10: memref<256x128xf32, #tpu.memory_space<vmem>>, %arg11: memref<256x128xf32, #tpu.memory_space<vmem>>, %arg12: memref<2x!tpu.dma_semaphore, #tpu.memory_space<semaphore_mem>>, %arg13: memref<2x!tpu.dma_semaphore, #tpu.memory_space<semaphore_mem>>) attributes {dimension_semantics = [#tpu.dimension_semantics<core_parallel>, #tpu.dimension_semantics<subcore_parallel>], iteration_bounds = array<i64: 2, 16>, scalar_prefetch = 0 : i64, scratch_operands = 6 : i64, tpu.core_type = #tpu.core_type<sc_vector_subcore>, window_params = [{transform_indices = #map}, {transform_indices = #map}, {transform_indices = #map1}, {transform_indices = #map1}, {transform_indices = #map}, {transform_indices = #map}]} {
    %mul3A = arith.constant 2 : i32
    %mul3A_0 = arith.muli %arg1, %mul3A : i32
    %add3A = arith.addi %mul3A_0, %arg0 : i32
    %mul3A_1 = arith.constant 256 : i32
    %mul3A_2 = arith.muli %add3A, %mul3A_1 : i32
    %add3A_3 = arith.constant 8192 : i32
    %add3A_4 = arith.addi %add3A_3, %mul3A_2 : i32
    %dma_start3A = arith.constant 0 : i32
    %dma_start3A_5 = tpu.memref_slice %arg4[%add3A_4] : memref<16384xi32, #tpu.memory_space<hbm>> -> memref<256xi32, #tpu.memory_space<hbm>>
    %dma_start3A_6 = tpu.memref_slice %arg12[%dma_start3A] : memref<2x!tpu.dma_semaphore, #tpu.memory_space<semaphore_mem>> -> memref<1x!tpu.dma_semaphore, #tpu.memory_space<semaphore_mem>>
    %dma_start3A_7 = tpu.memref_squeeze %dma_start3A_6 : memref<1x!tpu.dma_semaphore, #tpu.memory_space<semaphore_mem>> -> memref<!tpu.dma_semaphore, #tpu.memory_space<semaphore_mem>>
    %dma_start3A_8 = tpu.memref_slice %arg4[%add3A_4] : memref<16384xi32, #tpu.memory_space<hbm>> -> memref<256xi32, #tpu.memory_space<hbm>>
    tpu.enqueue_dma source(%dma_start3A_8 : memref<256xi32, #tpu.memory_space<hbm>>) target(%arg8 : memref<256xi32, #tpu.memory_space<vmem>>) target_semaphore(%dma_start3A_7 : memref<!tpu.dma_semaphore, #tpu.memory_space<semaphore_mem>>)
    %add3A_9 = arith.constant 8192 : i32
    %add3A_10 = arith.addi %add3A_9, %mul3A_2 : i32
    %dma_start3A_11 = arith.constant 0 : i32
    %dma_start3A_12 = tpu.memref_slice %arg5[%add3A_10] : memref<16384xi32, #tpu.memory_space<hbm>> -> memref<256xi32, #tpu.memory_space<hbm>>
    %dma_start3A_13 = tpu.memref_slice %arg13[%dma_start3A_11] : memref<2x!tpu.dma_semaphore, #tpu.memory_space<semaphore_mem>> -> memref<1x!tpu.dma_semaphore, #tpu.memory_space<semaphore_mem>>
    %dma_start3A_14 = tpu.memref_squeeze %dma_start3A_13 : memref<1x!tpu.dma_semaphore, #tpu.memory_space<semaphore_mem>> -> memref<!tpu.dma_semaphore, #tpu.memory_space<semaphore_mem>>
    %dma_start3A_15 = tpu.memref_slice %arg5[%add3A_10] : memref<16384xi32, #tpu.memory_space<hbm>> -> memref<256xi32, #tpu.memory_space<hbm>>
    tpu.enqueue_dma source(%dma_start3A_15 : memref<256xi32, #tpu.memory_space<hbm>>) target(%arg9 : memref<256xi32, #tpu.memory_space<vmem>>) target_semaphore(%dma_start3A_14 : memref<!tpu.dma_semaphore, #tpu.memory_space<semaphore_mem>>)
    %dma_wait3A = arith.constant 0 : i32
    %dma_wait3A_16 = tpu.memref_slice %arg4[%add3A_4] : memref<16384xi32, #tpu.memory_space<hbm>> -> memref<256xi32, #tpu.memory_space<hbm>>
    %dma_wait3A_17 = tpu.memref_slice %arg12[%dma_wait3A] : memref<2x!tpu.dma_semaphore, #tpu.memory_space<semaphore_mem>> -> memref<1x!tpu.dma_semaphore, #tpu.memory_space<semaphore_mem>>
    %dma_wait3A_18 = tpu.memref_squeeze %dma_wait3A_17 : memref<1x!tpu.dma_semaphore, #tpu.memory_space<semaphore_mem>> -> memref<!tpu.dma_semaphore, #tpu.memory_space<semaphore_mem>>
    %dma_wait3A_19 = tpu.memref_slice %arg4[%add3A_4] : memref<16384xi32, #tpu.memory_space<hbm>> -> memref<256xi32, #tpu.memory_space<hbm>>
    tpu.wait_dma2 semaphore(%dma_wait3A_18 : memref<!tpu.dma_semaphore, #tpu.memory_space<semaphore_mem>>) src(%dma_wait3A_19 : memref<256xi32, #tpu.memory_space<hbm>>) dst(%arg8 : memref<256xi32, #tpu.memory_space<vmem>>)
    %dma_wait3A_20 = arith.constant 0 : i32
    %dma_wait3A_21 = tpu.memref_slice %arg5[%add3A_10] : memref<16384xi32, #tpu.memory_space<hbm>> -> memref<256xi32, #tpu.memory_space<hbm>>
    %dma_wait3A_22 = tpu.memref_slice %arg13[%dma_wait3A_20] : memref<2x!tpu.dma_semaphore, #tpu.memory_space<semaphore_mem>> -> memref<1x!tpu.dma_semaphore, #tpu.memory_space<semaphore_mem>>
    %dma_wait3A_23 = tpu.memref_squeeze %dma_wait3A_22 : memref<1x!tpu.dma_semaphore, #tpu.memory_space<semaphore_mem>> -> memref<!tpu.dma_semaphore, #tpu.memory_space<semaphore_mem>>
    %dma_wait3A_24 = tpu.memref_slice %arg5[%add3A_10] : memref<16384xi32, #tpu.memory_space<hbm>> -> memref<256xi32, #tpu.memory_space<hbm>>
    tpu.wait_dma2 semaphore(%dma_wait3A_23 : memref<!tpu.dma_semaphore, #tpu.memory_space<semaphore_mem>>) src(%dma_wait3A_24 : memref<256xi32, #tpu.memory_space<hbm>>) dst(%arg9 : memref<256xi32, #tpu.memory_space<vmem>>)
    %dma_start3A_25 = arith.constant 0 : i32
    %dma_start3A_26 = arith.constant 0 : i32
    %dma_start3A_27 = arith.constant 0 : i32
    %dma_start3A_28 = tpu.memref_slice %arg10[%dma_start3A_26, %dma_start3A_27] : memref<256x128xf32, #tpu.memory_space<vmem>> -> memref<128x128xf32, #tpu.memory_space<vmem>>
    %dma_start3A_29 = arith.constant 0 : i32
    %dma_start3A_30 = tpu.memref_slice %arg8[%dma_start3A_29] : memref<256xi32, #tpu.memory_space<vmem>> -> memref<128xi32, #tpu.memory_space<vmem>>
    %dma_start3A_31 = arith.constant 0 : i32
    %dma_start3A_32 = arith.constant 0 : i32
    %dma_start3A_33 = tpu.memref_slice %arg2[%dma_start3A_31, %dma_start3A_32] : memref<100000x128xf32, #tpu.memory_space<hbm>> -> memref<100000x128xf32, #tpu.memory_space<hbm>>
    %dma_start3A_34 = tpu.memref_slice %arg12[%dma_start3A_25] : memref<2x!tpu.dma_semaphore, #tpu.memory_space<semaphore_mem>> -> memref<1x!tpu.dma_semaphore, #tpu.memory_space<semaphore_mem>>
    %dma_start3A_35 = tpu.memref_squeeze %dma_start3A_34 : memref<1x!tpu.dma_semaphore, #tpu.memory_space<semaphore_mem>> -> memref<!tpu.dma_semaphore, #tpu.memory_space<semaphore_mem>>
    tpu.enqueue_indirect_dma source(%dma_start3A_33 : memref<100000x128xf32, #tpu.memory_space<hbm>>) target(%dma_start3A_28 : memref<128x128xf32, #tpu.memory_space<vmem>>) offsets(%dma_start3A_30 : memref<128xi32, #tpu.memory_space<vmem>>) semaphore(%dma_start3A_35 : memref<!tpu.dma_semaphore, #tpu.memory_space<semaphore_mem>>)
    %dma_start3A_36 = arith.constant 0 : i32
    %dma_start3A_37 = arith.constant 0 : i32
    %dma_start3A_38 = arith.constant 0 : i32
    %dma_start3A_39 = tpu.memref_slice %arg11[%dma_start3A_37, %dma_start3A_38] : memref<256x128xf32, #tpu.memory_space<vmem>> -> memref<128x128xf32, #tpu.memory_space<vmem>>
    %dma_start3A_40 = arith.constant 0 : i32
    %dma_start3A_41 = tpu.memref_slice %arg9[%dma_start3A_40] : memref<256xi32, #tpu.memory_space<vmem>> -> memref<128xi32, #tpu.memory_space<vmem>>
    %dma_start3A_42 = arith.constant 0 : i32
    %dma_start3A_43 = arith.constant 0 : i32
    %dma_start3A_44 = tpu.memref_slice %arg3[%dma_start3A_42, %dma_start3A_43] : memref<100000x128xf32, #tpu.memory_space<hbm>> -> memref<100000x128xf32, #tpu.memory_space<hbm>>
    %dma_start3A_45 = tpu.memref_slice %arg13[%dma_start3A_36] : memref<2x!tpu.dma_semaphore, #tpu.memory_space<semaphore_mem>> -> memref<1x!tpu.dma_semaphore, #tpu.memory_space<semaphore_mem>>
    %dma_start3A_46 = tpu.memref_squeeze %dma_start3A_45 : memref<1x!tpu.dma_semaphore, #tpu.memory_space<semaphore_mem>> -> memref<!tpu.dma_semaphore, #tpu.memory_space<semaphore_mem>>
    tpu.enqueue_indirect_dma source(%dma_start3A_44 : memref<100000x128xf32, #tpu.memory_space<hbm>>) target(%dma_start3A_39 : memref<128x128xf32, #tpu.memory_space<vmem>>) offsets(%dma_start3A_41 : memref<128xi32, #tpu.memory_space<vmem>>) semaphore(%dma_start3A_46 : memref<!tpu.dma_semaphore, #tpu.memory_space<semaphore_mem>>)
    %dma_start3A_47 = arith.constant 1 : i32
    %dma_start3A_48 = arith.constant 128 : i32
    %dma_start3A_49 = arith.constant 0 : i32
    %dma_start3A_50 = tpu.memref_slice %arg10[%dma_start3A_48, %dma_start3A_49] : memref<256x128xf32, #tpu.memory_space<vmem>> -> memref<128x128xf32, #tpu.memory_space<vmem>>
    %dma_start3A_51 = arith.constant 128 : i32
    %dma_start3A_52 = tpu.memref_slice %arg8[%dma_start3A_51] : memref<256xi32, #tpu.memory_space<vmem>> -> memref<128xi32, #tpu.memory_space<vmem>>
    %dma_start3A_53 = arith.constant 0 : i32
    %dma_start3A_54 = arith.constant 0 : i32
    %dma_start3A_55 = tpu.memref_slice %arg2[%dma_start3A_53, %dma_start3A_54] : memref<100000x128xf32, #tpu.memory_space<hbm>> -> memref<100000x128xf32, #tpu.memory_space<hbm>>
    %dma_start3A_56 = tpu.memref_slice %arg12[%dma_start3A_47] : memref<2x!tpu.dma_semaphore, #tpu.memory_space<semaphore_mem>> -> memref<1x!tpu.dma_semaphore, #tpu.memory_space<semaphore_mem>>
    %dma_start3A_57 = tpu.memref_squeeze %dma_start3A_56 : memref<1x!tpu.dma_semaphore, #tpu.memory_space<semaphore_mem>> -> memref<!tpu.dma_semaphore, #tpu.memory_space<semaphore_mem>>
    tpu.enqueue_indirect_dma source(%dma_start3A_55 : memref<100000x128xf32, #tpu.memory_space<hbm>>) target(%dma_start3A_50 : memref<128x128xf32, #tpu.memory_space<vmem>>) offsets(%dma_start3A_52 : memref<128xi32, #tpu.memory_space<vmem>>) semaphore(%dma_start3A_57 : memref<!tpu.dma_semaphore, #tpu.memory_space<semaphore_mem>>)
    %dma_start3A_58 = arith.constant 1 : i32
    %dma_start3A_59 = arith.constant 128 : i32
    %dma_start3A_60 = arith.constant 0 : i32
    %dma_start3A_61 = tpu.memref_slice %arg11[%dma_start3A_59, %dma_start3A_60] : memref<256x128xf32, #tpu.memory_space<vmem>> -> memref<128x128xf32, #tpu.memory_space<vmem>>
    %dma_start3A_62 = arith.constant 128 : i32
    %dma_start3A_63 = tpu.memref_slice %arg9[%dma_start3A_62] : memref<256xi32, #tpu.memory_space<vmem>> -> memref<128xi32, #tpu.memory_space<vmem>>
    %dma_start3A_64 = arith.constant 0 : i32
    %dma_start3A_65 = arith.constant 0 : i32
    %dma_start3A_66 = tpu.memref_slice %arg3[%dma_start3A_64, %dma_start3A_65] : memref<100000x128xf32, #tpu.memory_space<hbm>> -> memref<100000x128xf32, #tpu.memory_space<hbm>>
    %dma_start3A_67 = tpu.memref_slice %arg13[%dma_start3A_58] : memref<2x!tpu.dma_semaphore, #tpu.memory_space<semaphore_mem>> -> memref<1x!tpu.dma_semaphore, #tpu.memory_space<semaphore_mem>>
    %dma_start3A_68 = tpu.memref_squeeze %dma_start3A_67 : memref<1x!tpu.dma_semaphore, #tpu.memory_space<semaphore_mem>> -> memref<!tpu.dma_semaphore, #tpu.memory_space<semaphore_mem>>
    tpu.enqueue_indirect_dma source(%dma_start3A_66 : memref<100000x128xf32, #tpu.memory_space<hbm>>) target(%dma_start3A_61 : memref<128x128xf32, #tpu.memory_space<vmem>>) offsets(%dma_start3A_63 : memref<128xi32, #tpu.memory_space<vmem>>) semaphore(%dma_start3A_68 : memref<!tpu.dma_semaphore, #tpu.memory_space<semaphore_mem>>)
    %add3A_69 = arith.constant 0 : i32
    %add3A_70 = arith.addi %mul3A_2, %add3A_69 : i32
    %dma_wait3A_71 = arith.constant 0 : i32
    %dma_wait3A_72 = arith.constant 0 : i32
    %dma_wait3A_73 = arith.constant 0 : i32
    %dma_wait3A_74 = tpu.memref_slice %arg10[%dma_wait3A_72, %dma_wait3A_73] : memref<256x128xf32, #tpu.memory_space<vmem>> -> memref<128x128xf32, #tpu.memory_space<vmem>>
    %dma_wait3A_75 = arith.constant 0 : i32
    %dma_wait3A_76 = tpu.memref_slice %arg8[%dma_wait3A_75] : memref<256xi32, #tpu.memory_space<vmem>> -> memref<128xi32, #tpu.memory_space<vmem>>
    %dma_wait3A_77 = arith.constant 0 : i32
    %dma_wait3A_78 = arith.constant 0 : i32
    %dma_wait3A_79 = tpu.memref_slice %arg2[%dma_wait3A_77, %dma_wait3A_78] : memref<100000x128xf32, #tpu.memory_space<hbm>> -> memref<100000x128xf32, #tpu.memory_space<hbm>>
    %dma_wait3A_80 = tpu.memref_slice %arg12[%dma_wait3A_71] : memref<2x!tpu.dma_semaphore, #tpu.memory_space<semaphore_mem>> -> memref<1x!tpu.dma_semaphore, #tpu.memory_space<semaphore_mem>>
    %dma_wait3A_81 = tpu.memref_squeeze %dma_wait3A_80 : memref<1x!tpu.dma_semaphore, #tpu.memory_space<semaphore_mem>> -> memref<!tpu.dma_semaphore, #tpu.memory_space<semaphore_mem>>
    tpu.wait_indirect_dma semaphore(%dma_wait3A_81 : memref<!tpu.dma_semaphore, #tpu.memory_space<semaphore_mem>>) src(%dma_wait3A_79 : memref<100000x128xf32, #tpu.memory_space<hbm>>) dst(%dma_wait3A_74 : memref<128x128xf32, #tpu.memory_space<vmem>>)
    %dma_start3A_82 = arith.constant 0 : i32
    %dma_start3A_83 = arith.constant 0 : i32
    %dma_start3A_84 = arith.constant 0 : i32
    %dma_start3A_85 = tpu.memref_slice %arg10[%dma_start3A_83, %dma_start3A_84] : memref<256x128xf32, #tpu.memory_space<vmem>> -> memref<128x128xf32, #tpu.memory_space<vmem>>
    %dma_start3A_86 = arith.constant 0 : i32
    %dma_start3A_87 = tpu.memref_slice %arg6[%add3A_70, %dma_start3A_86] : memref<8192x128xf32, #tpu.memory_space<hbm>> -> memref<128x128xf32, #tpu.memory_space<hbm>>
    %dma_start3A_88 = tpu.memref_slice %arg12[%dma_start3A_82] : memref<2x!tpu.dma_semaphore, #tpu.memory_space<semaphore_mem>> -> memref<1x!tpu.dma_semaphore, #tpu.memory_space<semaphore_mem>>
    %dma_start3A_89 = tpu.memref_squeeze %dma_start3A_88 : memref<1x!tpu.dma_semaphore, #tpu.memory_space<semaphore_mem>> -> memref<!tpu.dma_semaphore, #tpu.memory_space<semaphore_mem>>
    %dma_start3A_90 = arith.constant 0 : i32
    %dma_start3A_91 = tpu.memref_slice %arg6[%add3A_70, %dma_start3A_90] : memref<8192x128xf32, #tpu.memory_space<hbm>> -> memref<128x128xf32, #tpu.memory_space<hbm>>
    %dma_start3A_92 = arith.constant 0 : i32
    %dma_start3A_93 = arith.constant 0 : i32
    %dma_start3A_94 = tpu.memref_slice %arg10[%dma_start3A_92, %dma_start3A_93] : memref<256x128xf32, #tpu.memory_space<vmem>> -> memref<128x128xf32, #tpu.memory_space<vmem>>
    tpu.enqueue_dma source(%dma_start3A_94 : memref<128x128xf32, #tpu.memory_space<vmem>>) target(%dma_start3A_91 : memref<128x128xf32, #tpu.memory_space<hbm>>) target_semaphore(%dma_start3A_89 : memref<!tpu.dma_semaphore, #tpu.memory_space<semaphore_mem>>)
    %dma_wait3A_95 = arith.constant 0 : i32
    %dma_wait3A_96 = arith.constant 0 : i32
    %dma_wait3A_97 = arith.constant 0 : i32
    %dma_wait3A_98 = tpu.memref_slice %arg11[%dma_wait3A_96, %dma_wait3A_97] : memref<256x128xf32, #tpu.memory_space<vmem>> -> memref<128x128xf32, #tpu.memory_space<vmem>>
    %dma_wait3A_99 = arith.constant 0 : i32
    %dma_wait3A_100 = tpu.memref_slice %arg9[%dma_wait3A_99] : memref<256xi32, #tpu.memory_space<vmem>> -> memref<128xi32, #tpu.memory_space<vmem>>
    %dma_wait3A_101 = arith.constant 0 : i32
    %dma_wait3A_102 = arith.constant 0 : i32
    %dma_wait3A_103 = tpu.memref_slice %arg3[%dma_wait3A_101, %dma_wait3A_102] : memref<100000x128xf32, #tpu.memory_space<hbm>> -> memref<100000x128xf32, #tpu.memory_space<hbm>>
    %dma_wait3A_104 = tpu.memref_slice %arg13[%dma_wait3A_95] : memref<2x!tpu.dma_semaphore, #tpu.memory_space<semaphore_mem>> -> memref<1x!tpu.dma_semaphore, #tpu.memory_space<semaphore_mem>>
    %dma_wait3A_105 = tpu.memref_squeeze %dma_wait3A_104 : memref<1x!tpu.dma_semaphore, #tpu.memory_space<semaphore_mem>> -> memref<!tpu.dma_semaphore, #tpu.memory_space<semaphore_mem>>
    tpu.wait_indirect_dma semaphore(%dma_wait3A_105 : memref<!tpu.dma_semaphore, #tpu.memory_space<semaphore_mem>>) src(%dma_wait3A_103 : memref<100000x128xf32, #tpu.memory_space<hbm>>) dst(%dma_wait3A_98 : memref<128x128xf32, #tpu.memory_space<vmem>>)
    %dma_start3A_106 = arith.constant 0 : i32
    %dma_start3A_107 = arith.constant 0 : i32
    %dma_start3A_108 = arith.constant 0 : i32
    %dma_start3A_109 = tpu.memref_slice %arg11[%dma_start3A_107, %dma_start3A_108] : memref<256x128xf32, #tpu.memory_space<vmem>> -> memref<128x128xf32, #tpu.memory_space<vmem>>
    %dma_start3A_110 = arith.constant 0 : i32
    %dma_start3A_111 = tpu.memref_slice %arg7[%add3A_70, %dma_start3A_110] : memref<8192x128xf32, #tpu.memory_space<hbm>> -> memref<128x128xf32, #tpu.memory_space<hbm>>
    %dma_start3A_112 = tpu.memref_slice %arg13[%dma_start3A_106] : memref<2x!tpu.dma_semaphore, #tpu.memory_space<semaphore_mem>> -> memref<1x!tpu.dma_semaphore, #tpu.memory_space<semaphore_mem>>
    %dma_start3A_113 = tpu.memref_squeeze %dma_start3A_112 : memref<1x!tpu.dma_semaphore, #tpu.memory_space<semaphore_mem>> -> memref<!tpu.dma_semaphore, #tpu.memory_space<semaphore_mem>>
    %dma_start3A_114 = arith.constant 0 : i32
    %dma_start3A_115 = tpu.memref_slice %arg7[%add3A_70, %dma_start3A_114] : memref<8192x128xf32, #tpu.memory_space<hbm>> -> memref<128x128xf32, #tpu.memory_space<hbm>>
    %dma_start3A_116 = arith.constant 0 : i32
    %dma_start3A_117 = arith.constant 0 : i32
    %dma_start3A_118 = tpu.memref_slice %arg11[%dma_start3A_116, %dma_start3A_117] : memref<256x128xf32, #tpu.memory_space<vmem>> -> memref<128x128xf32, #tpu.memory_space<vmem>>
    tpu.enqueue_dma source(%dma_start3A_118 : memref<128x128xf32, #tpu.memory_space<vmem>>) target(%dma_start3A_115 : memref<128x128xf32, #tpu.memory_space<hbm>>) target_semaphore(%dma_start3A_113 : memref<!tpu.dma_semaphore, #tpu.memory_space<semaphore_mem>>)
    %add3A_119 = arith.constant 128 : i32
    %add3A_120 = arith.addi %mul3A_2, %add3A_119 : i32
    %dma_wait3A_121 = arith.constant 1 : i32
    %dma_wait3A_122 = arith.constant 128 : i32
    %dma_wait3A_123 = arith.constant 0 : i32
    %dma_wait3A_124 = tpu.memref_slice %arg10[%dma_wait3A_122, %dma_wait3A_123] : memref<256x128xf32, #tpu.memory_space<vmem>> -> memref<128x128xf32, #tpu.memory_space<vmem>>
    %dma_wait3A_125 = arith.constant 128 : i32
    %dma_wait3A_126 = tpu.memref_slice %arg8[%dma_wait3A_125] : memref<256xi32, #tpu.memory_space<vmem>> -> memref<128xi32, #tpu.memory_space<vmem>>
    %dma_wait3A_127 = arith.constant 0 : i32
    %dma_wait3A_128 = arith.constant 0 : i32
    %dma_wait3A_129 = tpu.memref_slice %arg2[%dma_wait3A_127, %dma_wait3A_128] : memref<100000x128xf32, #tpu.memory_space<hbm>> -> memref<100000x128xf32, #tpu.memory_space<hbm>>
    %dma_wait3A_130 = tpu.memref_slice %arg12[%dma_wait3A_121] : memref<2x!tpu.dma_semaphore, #tpu.memory_space<semaphore_mem>> -> memref<1x!tpu.dma_semaphore, #tpu.memory_space<semaphore_mem>>
    %dma_wait3A_131 = tpu.memref_squeeze %dma_wait3A_130 : memref<1x!tpu.dma_semaphore, #tpu.memory_space<semaphore_mem>> -> memref<!tpu.dma_semaphore, #tpu.memory_space<semaphore_mem>>
    tpu.wait_indirect_dma semaphore(%dma_wait3A_131 : memref<!tpu.dma_semaphore, #tpu.memory_space<semaphore_mem>>) src(%dma_wait3A_129 : memref<100000x128xf32, #tpu.memory_space<hbm>>) dst(%dma_wait3A_124 : memref<128x128xf32, #tpu.memory_space<vmem>>)
    %dma_start3A_132 = arith.constant 1 : i32
    %dma_start3A_133 = arith.constant 128 : i32
    %dma_start3A_134 = arith.constant 0 : i32
    %dma_start3A_135 = tpu.memref_slice %arg10[%dma_start3A_133, %dma_start3A_134] : memref<256x128xf32, #tpu.memory_space<vmem>> -> memref<128x128xf32, #tpu.memory_space<vmem>>
    %dma_start3A_136 = arith.constant 0 : i32
    %dma_start3A_137 = tpu.memref_slice %arg6[%add3A_120, %dma_start3A_136] : memref<8192x128xf32, #tpu.memory_space<hbm>> -> memref<128x128xf32, #tpu.memory_space<hbm>>
    %dma_start3A_138 = tpu.memref_slice %arg12[%dma_start3A_132] : memref<2x!tpu.dma_semaphore, #tpu.memory_space<semaphore_mem>> -> memref<1x!tpu.dma_semaphore, #tpu.memory_space<semaphore_mem>>
    %dma_start3A_139 = tpu.memref_squeeze %dma_start3A_138 : memref<1x!tpu.dma_semaphore, #tpu.memory_space<semaphore_mem>> -> memref<!tpu.dma_semaphore, #tpu.memory_space<semaphore_mem>>
    %dma_start3A_140 = arith.constant 0 : i32
    %dma_start3A_141 = tpu.memref_slice %arg6[%add3A_120, %dma_start3A_140] : memref<8192x128xf32, #tpu.memory_space<hbm>> -> memref<128x128xf32, #tpu.memory_space<hbm>>
    %dma_start3A_142 = arith.constant 128 : i32
    %dma_start3A_143 = arith.constant 0 : i32
    %dma_start3A_144 = tpu.memref_slice %arg10[%dma_start3A_142, %dma_start3A_143] : memref<256x128xf32, #tpu.memory_space<vmem>> -> memref<128x128xf32, #tpu.memory_space<vmem>>
    tpu.enqueue_dma source(%dma_start3A_144 : memref<128x128xf32, #tpu.memory_space<vmem>>) target(%dma_start3A_141 : memref<128x128xf32, #tpu.memory_space<hbm>>) target_semaphore(%dma_start3A_139 : memref<!tpu.dma_semaphore, #tpu.memory_space<semaphore_mem>>)
    %dma_wait3A_145 = arith.constant 1 : i32
    %dma_wait3A_146 = arith.constant 128 : i32
    %dma_wait3A_147 = arith.constant 0 : i32
    %dma_wait3A_148 = tpu.memref_slice %arg11[%dma_wait3A_146, %dma_wait3A_147] : memref<256x128xf32, #tpu.memory_space<vmem>> -> memref<128x128xf32, #tpu.memory_space<vmem>>
    %dma_wait3A_149 = arith.constant 128 : i32
    %dma_wait3A_150 = tpu.memref_slice %arg9[%dma_wait3A_149] : memref<256xi32, #tpu.memory_space<vmem>> -> memref<128xi32, #tpu.memory_space<vmem>>
    %dma_wait3A_151 = arith.constant 0 : i32
    %dma_wait3A_152 = arith.constant 0 : i32
    %dma_wait3A_153 = tpu.memref_slice %arg3[%dma_wait3A_151, %dma_wait3A_152] : memref<100000x128xf32, #tpu.memory_space<hbm>> -> memref<100000x128xf32, #tpu.memory_space<hbm>>
    %dma_wait3A_154 = tpu.memref_slice %arg13[%dma_wait3A_145] : memref<2x!tpu.dma_semaphore, #tpu.memory_space<semaphore_mem>> -> memref<1x!tpu.dma_semaphore, #tpu.memory_space<semaphore_mem>>
    %dma_wait3A_155 = tpu.memref_squeeze %dma_wait3A_154 : memref<1x!tpu.dma_semaphore, #tpu.memory_space<semaphore_mem>> -> memref<!tpu.dma_semaphore, #tpu.memory_space<semaphore_mem>>
    tpu.wait_indirect_dma semaphore(%dma_wait3A_155 : memref<!tpu.dma_semaphore, #tpu.memory_space<semaphore_mem>>) src(%dma_wait3A_153 : memref<100000x128xf32, #tpu.memory_space<hbm>>) dst(%dma_wait3A_148 : memref<128x128xf32, #tpu.memory_space<vmem>>)
    %dma_start3A_156 = arith.constant 1 : i32
    %dma_start3A_157 = arith.constant 128 : i32
    %dma_start3A_158 = arith.constant 0 : i32
    %dma_start3A_159 = tpu.memref_slice %arg11[%dma_start3A_157, %dma_start3A_158] : memref<256x128xf32, #tpu.memory_space<vmem>> -> memref<128x128xf32, #tpu.memory_space<vmem>>
    %dma_start3A_160 = arith.constant 0 : i32
    %dma_start3A_161 = tpu.memref_slice %arg7[%add3A_120, %dma_start3A_160] : memref<8192x128xf32, #tpu.memory_space<hbm>> -> memref<128x128xf32, #tpu.memory_space<hbm>>
    %dma_start3A_162 = tpu.memref_slice %arg13[%dma_start3A_156] : memref<2x!tpu.dma_semaphore, #tpu.memory_space<semaphore_mem>> -> memref<1x!tpu.dma_semaphore, #tpu.memory_space<semaphore_mem>>
    %dma_start3A_163 = tpu.memref_squeeze %dma_start3A_162 : memref<1x!tpu.dma_semaphore, #tpu.memory_space<semaphore_mem>> -> memref<!tpu.dma_semaphore, #tpu.memory_space<semaphore_mem>>
    %dma_start3A_164 = arith.constant 0 : i32
    %dma_start3A_165 = tpu.memref_slice %arg7[%add3A_120, %dma_start3A_164] : memref<8192x128xf32, #tpu.memory_space<hbm>> -> memref<128x128xf32, #tpu.memory_space<hbm>>
    %dma_start3A_166 = arith.constant 128 : i32
    %dma_start3A_167 = arith.constant 0 : i32
    %dma_start3A_168 = tpu.memref_slice %arg11[%dma_start3A_166, %dma_start3A_167] : memref<256x128xf32, #tpu.memory_space<vmem>> -> memref<128x128xf32, #tpu.memory_space<vmem>>
    tpu.enqueue_dma source(%dma_start3A_168 : memref<128x128xf32, #tpu.memory_space<vmem>>) target(%dma_start3A_165 : memref<128x128xf32, #tpu.memory_space<hbm>>) target_semaphore(%dma_start3A_163 : memref<!tpu.dma_semaphore, #tpu.memory_space<semaphore_mem>>)
    %dma_wait3A_169 = arith.constant 0 : i32
    %dma_wait3A_170 = arith.constant 0 : i32
    %dma_wait3A_171 = arith.constant 0 : i32
    %dma_wait3A_172 = tpu.memref_slice %arg10[%dma_wait3A_170, %dma_wait3A_171] : memref<256x128xf32, #tpu.memory_space<vmem>> -> memref<128x128xf32, #tpu.memory_space<vmem>>
    %dma_wait3A_173 = arith.constant 0 : i32
    %dma_wait3A_174 = tpu.memref_slice %arg6[%add3A_70, %dma_wait3A_173] : memref<8192x128xf32, #tpu.memory_space<hbm>> -> memref<128x128xf32, #tpu.memory_space<hbm>>
    %dma_wait3A_175 = tpu.memref_slice %arg12[%dma_wait3A_169] : memref<2x!tpu.dma_semaphore, #tpu.memory_space<semaphore_mem>> -> memref<1x!tpu.dma_semaphore, #tpu.memory_space<semaphore_mem>>
    %dma_wait3A_176 = tpu.memref_squeeze %dma_wait3A_175 : memref<1x!tpu.dma_semaphore, #tpu.memory_space<semaphore_mem>> -> memref<!tpu.dma_semaphore, #tpu.memory_space<semaphore_mem>>
    %dma_wait3A_177 = arith.constant 0 : i32
    %dma_wait3A_178 = tpu.memref_slice %arg6[%add3A_70, %dma_wait3A_177] : memref<8192x128xf32, #tpu.memory_space<hbm>> -> memref<128x128xf32, #tpu.memory_space<hbm>>
    %dma_wait3A_179 = arith.constant 0 : i32
    %dma_wait3A_180 = arith.constant 0 : i32
    %dma_wait3A_181 = tpu.memref_slice %arg10[%dma_wait3A_179, %dma_wait3A_180] : memref<256x128xf32, #tpu.memory_space<vmem>> -> memref<128x128xf32, #tpu.memory_space<vmem>>
    tpu.wait_dma2 semaphore(%dma_wait3A_176 : memref<!tpu.dma_semaphore, #tpu.memory_space<semaphore_mem>>) src(%dma_wait3A_181 : memref<128x128xf32, #tpu.memory_space<vmem>>) dst(%dma_wait3A_178 : memref<128x128xf32, #tpu.memory_space<hbm>>)
    %dma_wait3A_182 = arith.constant 0 : i32
    %dma_wait3A_183 = arith.constant 0 : i32
    %dma_wait3A_184 = arith.constant 0 : i32
    %dma_wait3A_185 = tpu.memref_slice %arg11[%dma_wait3A_183, %dma_wait3A_184] : memref<256x128xf32, #tpu.memory_space<vmem>> -> memref<128x128xf32, #tpu.memory_space<vmem>>
    %dma_wait3A_186 = arith.constant 0 : i32
    %dma_wait3A_187 = tpu.memref_slice %arg7[%add3A_70, %dma_wait3A_186] : memref<8192x128xf32, #tpu.memory_space<hbm>> -> memref<128x128xf32, #tpu.memory_space<hbm>>
    %dma_wait3A_188 = tpu.memref_slice %arg13[%dma_wait3A_182] : memref<2x!tpu.dma_semaphore, #tpu.memory_space<semaphore_mem>> -> memref<1x!tpu.dma_semaphore, #tpu.memory_space<semaphore_mem>>
    %dma_wait3A_189 = tpu.memref_squeeze %dma_wait3A_188 : memref<1x!tpu.dma_semaphore, #tpu.memory_space<semaphore_mem>> -> memref<!tpu.dma_semaphore, #tpu.memory_space<semaphore_mem>>
    %dma_wait3A_190 = arith.constant 0 : i32
    %dma_wait3A_191 = tpu.memref_slice %arg7[%add3A_70, %dma_wait3A_190] : memref<8192x128xf32, #tpu.memory_space<hbm>> -> memref<128x128xf32, #tpu.memory_space<hbm>>
    %dma_wait3A_192 = arith.constant 0 : i32
    %dma_wait3A_193 = arith.constant 0 : i32
    %dma_wait3A_194 = tpu.memref_slice %arg11[%dma_wait3A_192, %dma_wait3A_193] : memref<256x128xf32, #tpu.memory_space<vmem>> -> memref<128x128xf32, #tpu.memory_space<vmem>>
    tpu.wait_dma2 semaphore(%dma_wait3A_189 : memref<!tpu.dma_semaphore, #tpu.memory_space<semaphore_mem>>) src(%dma_wait3A_194 : memref<128x128xf32, #tpu.memory_space<vmem>>) dst(%dma_wait3A_191 : memref<128x128xf32, #tpu.memory_space<hbm>>)
    %dma_wait3A_195 = arith.constant 1 : i32
    %dma_wait3A_196 = arith.constant 128 : i32
    %dma_wait3A_197 = arith.constant 0 : i32
    %dma_wait3A_198 = tpu.memref_slice %arg10[%dma_wait3A_196, %dma_wait3A_197] : memref<256x128xf32, #tpu.memory_space<vmem>> -> memref<128x128xf32, #tpu.memory_space<vmem>>
    %dma_wait3A_199 = arith.constant 0 : i32
    %dma_wait3A_200 = tpu.memref_slice %arg6[%add3A_120, %dma_wait3A_199] : memref<8192x128xf32, #tpu.memory_space<hbm>> -> memref<128x128xf32, #tpu.memory_space<hbm>>
    %dma_wait3A_201 = tpu.memref_slice %arg12[%dma_wait3A_195] : memref<2x!tpu.dma_semaphore, #tpu.memory_space<semaphore_mem>> -> memref<1x!tpu.dma_semaphore, #tpu.memory_space<semaphore_mem>>
    %dma_wait3A_202 = tpu.memref_squeeze %dma_wait3A_201 : memref<1x!tpu.dma_semaphore, #tpu.memory_space<semaphore_mem>> -> memref<!tpu.dma_semaphore, #tpu.memory_space<semaphore_mem>>
    %dma_wait3A_203 = arith.constant 0 : i32
    %dma_wait3A_204 = tpu.memref_slice %arg6[%add3A_120, %dma_wait3A_203] : memref<8192x128xf32, #tpu.memory_space<hbm>> -> memref<128x128xf32, #tpu.memory_space<hbm>>
    %dma_wait3A_205 = arith.constant 128 : i32
    %dma_wait3A_206 = arith.constant 0 : i32
    %dma_wait3A_207 = tpu.memref_slice %arg10[%dma_wait3A_205, %dma_wait3A_206] : memref<256x128xf32, #tpu.memory_space<vmem>> -> memref<128x128xf32, #tpu.memory_space<vmem>>
    tpu.wait_dma2 semaphore(%dma_wait3A_202 : memref<!tpu.dma_semaphore, #tpu.memory_space<semaphore_mem>>) src(%dma_wait3A_207 : memref<128x128xf32, #tpu.memory_space<vmem>>) dst(%dma_wait3A_204 : memref<128x128xf32, #tpu.memory_space<hbm>>)
    %dma_wait3A_208 = arith.constant 1 : i32
    %dma_wait3A_209 = arith.constant 128 : i32
    %dma_wait3A_210 = arith.constant 0 : i32
    %dma_wait3A_211 = tpu.memref_slice %arg11[%dma_wait3A_209, %dma_wait3A_210] : memref<256x128xf32, #tpu.memory_space<vmem>> -> memref<128x128xf32, #tpu.memory_space<vmem>>
    %dma_wait3A_212 = arith.constant 0 : i32
    %dma_wait3A_213 = tpu.memref_slice %arg7[%add3A_120, %dma_wait3A_212] : memref<8192x128xf32, #tpu.memory_space<hbm>> -> memref<128x128xf32, #tpu.memory_space<hbm>>
    %dma_wait3A_214 = tpu.memref_slice %arg13[%dma_wait3A_208] : memref<2x!tpu.dma_semaphore, #tpu.memory_space<semaphore_mem>> -> memref<1x!tpu.dma_semaphore, #tpu.memory_space<semaphore_mem>>
    %dma_wait3A_215 = tpu.memref_squeeze %dma_wait3A_214 : memref<1x!tpu.dma_semaphore, #tpu.memory_space<semaphore_mem>> -> memref<!tpu.dma_semaphore, #tpu.memory_space<semaphore_mem>>
    %dma_wait3A_216 = arith.constant 0 : i32
    %dma_wait3A_217 = tpu.memref_slice %arg7[%add3A_120, %dma_wait3A_216] : memref<8192x128xf32, #tpu.memory_space<hbm>> -> memref<128x128xf32, #tpu.memory_space<hbm>>
    %dma_wait3A_218 = arith.constant 128 : i32
    %dma_wait3A_219 = arith.constant 0 : i32
    %dma_wait3A_220 = tpu.memref_slice %arg11[%dma_wait3A_218, %dma_wait3A_219] : memref<256x128xf32, #tpu.memory_space<vmem>> -> memref<128x128xf32, #tpu.memory_space<vmem>>
    tpu.wait_dma2 semaphore(%dma_wait3A_215 : memref<!tpu.dma_semaphore, #tpu.memory_space<semaphore_mem>>) src(%dma_wait3A_220 : memref<128x128xf32, #tpu.memory_space<vmem>>) dst(%dma_wait3A_217 : memref<128x128xf32, #tpu.memory_space<hbm>>)
    return
  }
}

module attributes {stable_mosaic.version = 14 : i64} {
  func.func @_mlp_body(%arg0: i32, %arg1: memref<2048x128xf32, #tpu.memory_space<vmem>>, %arg2: memref<2048x128xf32, #tpu.memory_space<vmem>>, %arg3: memref<256x256xbf16, #tpu.memory_space<vmem>>, %arg4: memref<1x256xf32, #tpu.memory_space<vmem>>, %arg5: memref<256x128xbf16, #tpu.memory_space<vmem>>, %arg6: memref<1x128xf32, #tpu.memory_space<vmem>>, %arg7: memref<128x1xbf16, #tpu.memory_space<vmem>>, %arg8: memref<128x1xbf16, #tpu.memory_space<vmem>>, %arg9: memref<1xf32, #tpu.memory_space<vmem>>, %arg10: memref<1x1x2048xf32, #tpu.memory_space<vmem>>) attributes {dimension_semantics = [#tpu.dimension_semantics<arbitrary>], iteration_bounds = array<i64: 4>, scalar_prefetch = 0 : i64, scratch_operands = 0 : i64, tpu.core_type = #tpu.core_type<tc>, window_params = [{transform_indices = @transform_0, window_bounds = array<i64: 2048, 128>}, {transform_indices = @transform_1, window_bounds = array<i64: 2048, 128>}, {pipeline_mode = #tpu.pipeline_mode<synchronous>, transform_indices = @transform_2, window_bounds = array<i64: 256, 256>}, {pipeline_mode = #tpu.pipeline_mode<synchronous>, transform_indices = @transform_3, window_bounds = array<i64: 1, 256>}, {pipeline_mode = #tpu.pipeline_mode<synchronous>, transform_indices = @transform_4, window_bounds = array<i64: 256, 128>}, {pipeline_mode = #tpu.pipeline_mode<synchronous>, transform_indices = @transform_5, window_bounds = array<i64: 1, 128>}, {pipeline_mode = #tpu.pipeline_mode<synchronous>, transform_indices = @transform_6, window_bounds = array<i64: 128, 1>}, {pipeline_mode = #tpu.pipeline_mode<synchronous>, transform_indices = @transform_7, window_bounds = array<i64: 128, 1>}, {pipeline_mode = #tpu.pipeline_mode<synchronous>, transform_indices = @transform_8, window_bounds = array<i64: 1>}, {transform_indices = @transform_9, window_bounds = array<i64: 1, 1, 2048>}]} {
    %get3A = arith.constant 0 : index
    %get3A_0 = arith.constant 0 : index
    %get3A_1 = vector.load %arg1[%get3A, %get3A_0] : memref<2048x128xf32, #tpu.memory_space<vmem>>, vector<2048x128xf32>
    %convert_element_type3A = arith.truncf %get3A_1 : vector<2048x128xf32> to vector<2048x128xbf16>
    %get3A_2 = arith.constant 0 : index
    %get3A_3 = arith.constant 0 : index
    %get3A_4 = vector.load %arg2[%get3A_2, %get3A_3] : memref<2048x128xf32, #tpu.memory_space<vmem>>, vector<2048x128xf32>
    %convert_element_type3A_5 = arith.truncf %get3A_4 : vector<2048x128xf32> to vector<2048x128xbf16>
    %concatenate3A = tpu.concatenate %convert_element_type3A, %convert_element_type3A_5 in 1 : vector<2048x128xbf16>, vector<2048x128xbf16> -> vector<2048x256xbf16>
    %get3A_6 = arith.constant 0 : index
    %get3A_7 = arith.constant 0 : index
    %get3A_8 = vector.load %arg3[%get3A_6, %get3A_7] : memref<256x256xbf16, #tpu.memory_space<vmem>>, vector<256x256xbf16>
    %dot_general3A = arith.constant dense<0.000000e+00> : vector<2048x256xf32>
    %dot_general3A_9 = tpu.matmul %concatenate3A, %get3A_8, %dot_general3A {dimension_numbers = #tpu.dot_dimension_numbers<[1], [0], [0], [1], [0, 0, 1, 1], [], []>, transpose_lhs_hint = false} : vector<2048x256xbf16>, vector<256x256xbf16>, vector<2048x256xf32> -> vector<2048x256xf32>
    %get3A_10 = arith.constant 0 : index
    %get3A_11 = arith.constant 0 : index
    %get3A_12 = vector.load %arg4[%get3A_10, %get3A_11] : memref<1x256xf32, #tpu.memory_space<vmem>>, vector<1x256xf32>
    %add3A = vector.broadcast %get3A_12 : vector<1x256xf32> to vector<2048x256xf32>
    %add3A_13 = arith.addf %dot_general3A_9, %add3A : vector<2048x256xf32>
    %convert_element_type3A_14 = arith.truncf %add3A_13 : vector<2048x256xf32> to vector<2048x256xbf16>
    %max3A = arith.constant 0.000000e+00 : bf16
    %max3A_15 = vector.broadcast %max3A : bf16 to vector<2048x256xbf16>
    %max3A_16 = arith.maximumf %convert_element_type3A_14, %max3A_15 : vector<2048x256xbf16>
    %get3A_17 = arith.constant 0 : index
    %get3A_18 = arith.constant 0 : index
    %get3A_19 = vector.load %arg5[%get3A_17, %get3A_18] : memref<256x128xbf16, #tpu.memory_space<vmem>>, vector<256x128xbf16>
    %dot_general3A_20 = arith.constant dense<0.000000e+00> : vector<2048x128xf32>
    %dot_general3A_21 = tpu.matmul %max3A_16, %get3A_19, %dot_general3A_20 {dimension_numbers = #tpu.dot_dimension_numbers<[1], [0], [0], [1], [0, 0, 1, 1], [], []>, transpose_lhs_hint = false} : vector<2048x256xbf16>, vector<256x128xbf16>, vector<2048x128xf32> -> vector<2048x128xf32>
    %get3A_22 = arith.constant 0 : index
    %get3A_23 = arith.constant 0 : index
    %get3A_24 = vector.load %arg6[%get3A_22, %get3A_23] : memref<1x128xf32, #tpu.memory_space<vmem>>, vector<1x128xf32>
    %add3A_25 = vector.broadcast %get3A_24 : vector<1x128xf32> to vector<2048x128xf32>
    %add3A_26 = arith.addf %dot_general3A_21, %add3A_25 : vector<2048x128xf32>
    %convert_element_type3A_27 = arith.truncf %add3A_26 : vector<2048x128xf32> to vector<2048x128xbf16>
    %max3A_28 = arith.constant 0.000000e+00 : bf16
    %max3A_29 = vector.broadcast %max3A_28 : bf16 to vector<2048x128xbf16>
    %max3A_30 = arith.maximumf %convert_element_type3A_27, %max3A_29 : vector<2048x128xbf16>
    %mul3A = arith.mulf %convert_element_type3A, %convert_element_type3A_5 : vector<2048x128xbf16>
    %get3A_31 = arith.constant 0 : index
    %get3A_32 = arith.constant 0 : index
    %get3A_33 = vector.load %arg7[%get3A_31, %get3A_32] : memref<128x1xbf16, #tpu.memory_space<vmem>>, vector<128x1xbf16>
    %dot_general3A_34 = arith.constant dense<0.000000e+00> : vector<2048x1xf32>
    %dot_general3A_35 = tpu.matmul %mul3A, %get3A_33, %dot_general3A_34 {dimension_numbers = #tpu.dot_dimension_numbers<[1], [0], [0], [1], [0, 0, 1, 1], [], []>, transpose_lhs_hint = false} : vector<2048x128xbf16>, vector<128x1xbf16>, vector<2048x1xf32> -> vector<2048x1xf32>
    %get3A_36 = arith.constant 0 : index
    %get3A_37 = arith.constant 0 : index
    %get3A_38 = vector.load %arg8[%get3A_36, %get3A_37] : memref<128x1xbf16, #tpu.memory_space<vmem>>, vector<128x1xbf16>
    %dot_general3A_39 = arith.constant dense<0.000000e+00> : vector<2048x1xf32>
    %dot_general3A_40 = tpu.matmul %max3A_30, %get3A_38, %dot_general3A_39 {dimension_numbers = #tpu.dot_dimension_numbers<[1], [0], [0], [1], [0, 0, 1, 1], [], []>, transpose_lhs_hint = false} : vector<2048x128xbf16>, vector<128x1xbf16>, vector<2048x1xf32> -> vector<2048x1xf32>
    %add3A_41 = arith.addf %dot_general3A_35, %dot_general3A_40 : vector<2048x1xf32>
    %get3A_42 = arith.constant 0 : index
    %get3A_43 = vector.load %arg9[%get3A_42] : memref<1xf32, #tpu.memory_space<vmem>>, vector<1xf32>
    %get3A_44 = vector.extract %get3A_43[0] : f32 from vector<1xf32>
    %add3A_45 = vector.broadcast %get3A_44 : f32 to vector<2048x1xf32>
    %add3A_46 = arith.addf %add3A_41, %add3A_45 : vector<2048x1xf32>
    %transpose3A = tpu.transpose %add3A_46, [1, 0] : vector<2048x1xf32> -> vector<1x2048xf32>
    %broadcast_in_dim3A = vector.shape_cast %transpose3A : vector<1x2048xf32> to vector<1x1x2048xf32>
    %swap3A = arith.constant 0 : index
    %swap3A_47 = arith.constant 0 : index
    %swap3A_48 = arith.constant 0 : index
    %swap3A_49 = vector.load %arg10[%swap3A, %swap3A_47, %swap3A_48] : memref<1x1x2048xf32, #tpu.memory_space<vmem>>, vector<1x1x2048xf32>
    tpu.vector_store %arg10[%swap3A, %swap3A_47, %swap3A_48], %broadcast_in_dim3A {strides = array<i32>} : memref<1x1x2048xf32, #tpu.memory_space<vmem>>, vector<1x1x2048xf32>,
    return
  }
  func.func @transform_0(%arg0: i32) -> (i32, i32) {
    %c0_i32 = arith.constant 0 : i32
    %c0_i32_0 = arith.constant 0 : i32
    return %arg0, %c0_i32 : i32, i32
  }
  func.func @transform_1(%arg0: i32) -> (i32, i32) {
    %c0_i32 = arith.constant 0 : i32
    %c0_i32_0 = arith.constant 0 : i32
    return %arg0, %c0_i32 : i32, i32
  }
  func.func @transform_2(%arg0: i32) -> (i32, i32) {
    %c0_i32 = arith.constant 0 : i32
    %c0_i32_0 = arith.constant 0 : i32
    %c0_i32_1 = arith.constant 0 : i32
    return %c0_i32, %c0_i32_0 : i32, i32
  }
  func.func @transform_3(%arg0: i32) -> (i32, i32) {
    %c0_i32 = arith.constant 0 : i32
    %c0_i32_0 = arith.constant 0 : i32
    %c0_i32_1 = arith.constant 0 : i32
    return %c0_i32, %c0_i32_0 : i32, i32
  }
  func.func @transform_4(%arg0: i32) -> (i32, i32) {
    %c0_i32 = arith.constant 0 : i32
    %c0_i32_0 = arith.constant 0 : i32
    %c0_i32_1 = arith.constant 0 : i32
    return %c0_i32, %c0_i32_0 : i32, i32
  }
  func.func @transform_5(%arg0: i32) -> (i32, i32) {
    %c0_i32 = arith.constant 0 : i32
    %c0_i32_0 = arith.constant 0 : i32
    %c0_i32_1 = arith.constant 0 : i32
    return %c0_i32, %c0_i32_0 : i32, i32
  }
  func.func @transform_6(%arg0: i32) -> (i32, i32) {
    %c0_i32 = arith.constant 0 : i32
    %c0_i32_0 = arith.constant 0 : i32
    %c0_i32_1 = arith.constant 0 : i32
    return %c0_i32, %c0_i32_0 : i32, i32
  }
  func.func @transform_7(%arg0: i32) -> (i32, i32) {
    %c0_i32 = arith.constant 0 : i32
    %c0_i32_0 = arith.constant 0 : i32
    %c0_i32_1 = arith.constant 0 : i32
    return %c0_i32, %c0_i32_0 : i32, i32
  }
  func.func @transform_8(%arg0: i32) -> i32 {
    %c0_i32 = arith.constant 0 : i32
    %c0_i32_0 = arith.constant 0 : i32
    return %c0_i32 : i32
  }
  func.func @transform_9(%arg0: i32) -> (i32, i32, i32) {
    %add3A = arith.constant 0 : i32
    %add3A_0 = arith.addi %arg0, %add3A : i32
    %c0_i32 = arith.constant 0 : i32
    %c0_i32_1 = arith.constant 0 : i32
    %c0_i32_2 = arith.constant 0 : i32
    return %add3A_0, %c0_i32, %c0_i32_1 : i32, i32, i32
  }
}

module attributes {stable_mosaic.version = 14 : i64} {
  func.func @_mlp_body(%arg0: i32, %arg1: memref<2048x128xf32, #tpu.memory_space<vmem>>, %arg2: memref<2048x128xf32, #tpu.memory_space<vmem>>, %arg3: memref<256x256xbf16, #tpu.memory_space<vmem>>, %arg4: memref<1x256xf32, #tpu.memory_space<vmem>>, %arg5: memref<256x128xbf16, #tpu.memory_space<vmem>>, %arg6: memref<1x128xf32, #tpu.memory_space<vmem>>, %arg7: memref<128x1xbf16, #tpu.memory_space<vmem>>, %arg8: memref<128x1xbf16, #tpu.memory_space<vmem>>, %arg9: memref<1xf32, #tpu.memory_space<vmem>>, %arg10: memref<8x1x2048xf32, #tpu.memory_space<any>>, %arg11: memref<1x1x2048xf32, #tpu.memory_space<vmem>>) attributes {dimension_semantics = [#tpu.dimension_semantics<arbitrary>], iteration_bounds = array<i64: 4>, scalar_prefetch = 0 : i64, scratch_operands = 0 : i64, tpu.core_type = #tpu.core_type<tc>, window_params = [{transform_indices = @transform_0, window_bounds = array<i64: 2048, 128>}, {transform_indices = @transform_1, window_bounds = array<i64: 2048, 128>}, {pipeline_mode = #tpu.pipeline_mode<synchronous>, transform_indices = @transform_2, window_bounds = array<i64: 256, 256>}, {pipeline_mode = #tpu.pipeline_mode<synchronous>, transform_indices = @transform_3, window_bounds = array<i64: 1, 256>}, {pipeline_mode = #tpu.pipeline_mode<synchronous>, transform_indices = @transform_4, window_bounds = array<i64: 256, 128>}, {pipeline_mode = #tpu.pipeline_mode<synchronous>, transform_indices = @transform_5, window_bounds = array<i64: 1, 128>}, {pipeline_mode = #tpu.pipeline_mode<synchronous>, transform_indices = @transform_6, window_bounds = array<i64: 128, 1>}, {pipeline_mode = #tpu.pipeline_mode<synchronous>, transform_indices = @transform_7, window_bounds = array<i64: 128, 1>}, {pipeline_mode = #tpu.pipeline_mode<synchronous>, transform_indices = @transform_8, window_bounds = array<i64: 1>}, {}, {transform_indices = @transform_10, window_bounds = array<i64: 1, 1, 2048>}]} {
    %get3A = arith.constant 0 : index
    %get3A_0 = arith.constant 0 : index
    %get3A_1 = vector.load %arg1[%get3A, %get3A_0] : memref<2048x128xf32, #tpu.memory_space<vmem>>, vector<2048x128xf32>
    %convert_element_type3A = arith.truncf %get3A_1 : vector<2048x128xf32> to vector<2048x128xbf16>
    %get3A_2 = arith.constant 0 : index
    %get3A_3 = arith.constant 0 : index
    %get3A_4 = vector.load %arg2[%get3A_2, %get3A_3] : memref<2048x128xf32, #tpu.memory_space<vmem>>, vector<2048x128xf32>
    %convert_element_type3A_5 = arith.truncf %get3A_4 : vector<2048x128xf32> to vector<2048x128xbf16>
    %concatenate3A = tpu.concatenate %convert_element_type3A, %convert_element_type3A_5 in 1 : vector<2048x128xbf16>, vector<2048x128xbf16> -> vector<2048x256xbf16>
    %get3A_6 = arith.constant 0 : index
    %get3A_7 = arith.constant 0 : index
    %get3A_8 = vector.load %arg3[%get3A_6, %get3A_7] : memref<256x256xbf16, #tpu.memory_space<vmem>>, vector<256x256xbf16>
    %dot_general3A = arith.constant dense<0.000000e+00> : vector<2048x256xf32>
    %dot_general3A_9 = tpu.matmul %concatenate3A, %get3A_8, %dot_general3A {dimension_numbers = #tpu.dot_dimension_numbers<[1], [0], [0], [1], [0, 0, 1, 1], [], []>, transpose_lhs_hint = false} : vector<2048x256xbf16>, vector<256x256xbf16>, vector<2048x256xf32> -> vector<2048x256xf32>
    %get3A_10 = arith.constant 0 : index
    %get3A_11 = arith.constant 0 : index
    %get3A_12 = vector.load %arg4[%get3A_10, %get3A_11] : memref<1x256xf32, #tpu.memory_space<vmem>>, vector<1x256xf32>
    %add3A = vector.broadcast %get3A_12 : vector<1x256xf32> to vector<2048x256xf32>
    %add3A_13 = arith.addf %dot_general3A_9, %add3A : vector<2048x256xf32>
    %convert_element_type3A_14 = arith.truncf %add3A_13 : vector<2048x256xf32> to vector<2048x256xbf16>
    %max3A = arith.constant 0.000000e+00 : bf16
    %max3A_15 = vector.broadcast %max3A : bf16 to vector<2048x256xbf16>
    %max3A_16 = arith.maximumf %convert_element_type3A_14, %max3A_15 : vector<2048x256xbf16>
    %get3A_17 = arith.constant 0 : index
    %get3A_18 = arith.constant 0 : index
    %get3A_19 = vector.load %arg5[%get3A_17, %get3A_18] : memref<256x128xbf16, #tpu.memory_space<vmem>>, vector<256x128xbf16>
    %dot_general3A_20 = arith.constant dense<0.000000e+00> : vector<2048x128xf32>
    %dot_general3A_21 = tpu.matmul %max3A_16, %get3A_19, %dot_general3A_20 {dimension_numbers = #tpu.dot_dimension_numbers<[1], [0], [0], [1], [0, 0, 1, 1], [], []>, transpose_lhs_hint = false} : vector<2048x256xbf16>, vector<256x128xbf16>, vector<2048x128xf32> -> vector<2048x128xf32>
    %get3A_22 = arith.constant 0 : index
    %get3A_23 = arith.constant 0 : index
    %get3A_24 = vector.load %arg6[%get3A_22, %get3A_23] : memref<1x128xf32, #tpu.memory_space<vmem>>, vector<1x128xf32>
    %add3A_25 = vector.broadcast %get3A_24 : vector<1x128xf32> to vector<2048x128xf32>
    %add3A_26 = arith.addf %dot_general3A_21, %add3A_25 : vector<2048x128xf32>
    %convert_element_type3A_27 = arith.truncf %add3A_26 : vector<2048x128xf32> to vector<2048x128xbf16>
    %max3A_28 = arith.constant 0.000000e+00 : bf16
    %max3A_29 = vector.broadcast %max3A_28 : bf16 to vector<2048x128xbf16>
    %max3A_30 = arith.maximumf %convert_element_type3A_27, %max3A_29 : vector<2048x128xbf16>
    %mul3A = arith.mulf %convert_element_type3A, %convert_element_type3A_5 : vector<2048x128xbf16>
    %get3A_31 = arith.constant 0 : index
    %get3A_32 = arith.constant 0 : index
    %get3A_33 = vector.load %arg7[%get3A_31, %get3A_32] : memref<128x1xbf16, #tpu.memory_space<vmem>>, vector<128x1xbf16>
    %dot_general3A_34 = arith.constant dense<0.000000e+00> : vector<2048x1xf32>
    %dot_general3A_35 = tpu.matmul %mul3A, %get3A_33, %dot_general3A_34 {dimension_numbers = #tpu.dot_dimension_numbers<[1], [0], [0], [1], [0, 0, 1, 1], [], []>, transpose_lhs_hint = false} : vector<2048x128xbf16>, vector<128x1xbf16>, vector<2048x1xf32> -> vector<2048x1xf32>
    %get3A_36 = arith.constant 0 : index
    %get3A_37 = arith.constant 0 : index
    %get3A_38 = vector.load %arg8[%get3A_36, %get3A_37] : memref<128x1xbf16, #tpu.memory_space<vmem>>, vector<128x1xbf16>
    %dot_general3A_39 = arith.constant dense<0.000000e+00> : vector<2048x1xf32>
    %dot_general3A_40 = tpu.matmul %max3A_30, %get3A_38, %dot_general3A_39 {dimension_numbers = #tpu.dot_dimension_numbers<[1], [0], [0], [1], [0, 0, 1, 1], [], []>, transpose_lhs_hint = false} : vector<2048x128xbf16>, vector<128x1xbf16>, vector<2048x1xf32> -> vector<2048x1xf32>
    %add3A_41 = arith.addf %dot_general3A_35, %dot_general3A_40 : vector<2048x1xf32>
    %get3A_42 = arith.constant 0 : index
    %get3A_43 = vector.load %arg9[%get3A_42] : memref<1xf32, #tpu.memory_space<vmem>>, vector<1xf32>
    %get3A_44 = vector.extract %get3A_43[0] : f32 from vector<1xf32>
    %add3A_45 = vector.broadcast %get3A_44 : f32 to vector<2048x1xf32>
    %add3A_46 = arith.addf %add3A_41, %add3A_45 : vector<2048x1xf32>
    %transpose3A = tpu.transpose %add3A_46, [1, 0] : vector<2048x1xf32> -> vector<1x2048xf32>
    %broadcast_in_dim3A = vector.shape_cast %transpose3A : vector<1x2048xf32> to vector<1x1x2048xf32>
    %swap3A = arith.constant 0 : index
    %swap3A_47 = arith.constant 0 : index
    %swap3A_48 = arith.constant 0 : index
    %swap3A_49 = vector.load %arg11[%swap3A, %swap3A_47, %swap3A_48] : memref<1x1x2048xf32, #tpu.memory_space<vmem>>, vector<1x1x2048xf32>
    tpu.vector_store %arg11[%swap3A, %swap3A_47, %swap3A_48], %broadcast_in_dim3A {strides = array<i32>} : memref<1x1x2048xf32, #tpu.memory_space<vmem>>, vector<1x1x2048xf32>,
    return
  }
  func.func @transform_0(%arg0: i32) -> (i32, i32) {
    %c0_i32 = arith.constant 0 : i32
    %c0_i32_0 = arith.constant 0 : i32
    return %arg0, %c0_i32 : i32, i32
  }
  func.func @transform_1(%arg0: i32) -> (i32, i32) {
    %c0_i32 = arith.constant 0 : i32
    %c0_i32_0 = arith.constant 0 : i32
    return %arg0, %c0_i32 : i32, i32
  }
  func.func @transform_2(%arg0: i32) -> (i32, i32) {
    %c0_i32 = arith.constant 0 : i32
    %c0_i32_0 = arith.constant 0 : i32
    %c0_i32_1 = arith.constant 0 : i32
    return %c0_i32, %c0_i32_0 : i32, i32
  }
  func.func @transform_3(%arg0: i32) -> (i32, i32) {
    %c0_i32 = arith.constant 0 : i32
    %c0_i32_0 = arith.constant 0 : i32
    %c0_i32_1 = arith.constant 0 : i32
    return %c0_i32, %c0_i32_0 : i32, i32
  }
  func.func @transform_4(%arg0: i32) -> (i32, i32) {
    %c0_i32 = arith.constant 0 : i32
    %c0_i32_0 = arith.constant 0 : i32
    %c0_i32_1 = arith.constant 0 : i32
    return %c0_i32, %c0_i32_0 : i32, i32
  }
  func.func @transform_5(%arg0: i32) -> (i32, i32) {
    %c0_i32 = arith.constant 0 : i32
    %c0_i32_0 = arith.constant 0 : i32
    %c0_i32_1 = arith.constant 0 : i32
    return %c0_i32, %c0_i32_0 : i32, i32
  }
  func.func @transform_6(%arg0: i32) -> (i32, i32) {
    %c0_i32 = arith.constant 0 : i32
    %c0_i32_0 = arith.constant 0 : i32
    %c0_i32_1 = arith.constant 0 : i32
    return %c0_i32, %c0_i32_0 : i32, i32
  }
  func.func @transform_7(%arg0: i32) -> (i32, i32) {
    %c0_i32 = arith.constant 0 : i32
    %c0_i32_0 = arith.constant 0 : i32
    %c0_i32_1 = arith.constant 0 : i32
    return %c0_i32, %c0_i32_0 : i32, i32
  }
  func.func @transform_8(%arg0: i32) -> i32 {
    %c0_i32 = arith.constant 0 : i32
    %c0_i32_0 = arith.constant 0 : i32
    return %c0_i32 : i32
  }
  func.func @transform_10(%arg0: i32) -> (i32, i32, i32) {
    %add3A = arith.constant 4 : i32
    %add3A_0 = arith.addi %arg0, %add3A : i32
    %c0_i32 = arith.constant 0 : i32
    %c0_i32_1 = arith.constant 0 : i32
    %c0_i32_2 = arith.constant 0 : i32
    return %add3A_0, %c0_i32, %c0_i32_1 : i32, i32, i32
  }
}

</mosaic_0001>

<sc_bundles>
// kernel: kernel.6.cloned.1.call-start
scs
__scs_entry_jumppad:
0x0: {  	(pc) =	sbr.rel $0x88, $3  }
0x1: {  	(tag) =	ssettag $0x0;
	lr =	simm.s32 $0x1  }
0x2: {  	[smem:$0x3F97] =	sst lr;
	_ =	strace $0xD0000000  }
0x3: {  	_ = 	snop  }
0x4: {  	_ = 	snop  }
0x5: {  	_ = 	snop  }
0x6: {  	_ = 	snop  }
0x7: {  	_ = 	snop  }
__scs_overlays_trampoline_lowered:
0x8: {  	[smem:$0x3FA6] =	sst s0  }
0x9: {  	[smem:$0x3FA7] =	sst s1  }
0xa: {  	[smem:$0x3FA8] =	sst s2  }
0xb: {  	[smem:$0x3FA9] =	sst s3  }
0xc: {  	[smem:$0x3FAA] =	sst s4  }
0xd: {  	[smem:$0x3FAB] =	sst s5  }
0xe: {  	[smem:$0x3FAC] =	sst s6  }
0xf: {  	[smem:$0x3FAD] =	sst s7  }
0x10: {  	[smem:$0x3FAE] =	sst s8  }
0x11: {  	[smem:$0x3FAF] =	sst s9;
	s0 =	simm.s32 @!p0 $0x0  }
0x12: {  	s1 =	sld [smem:$0x3F95];
	s0 =	simm.s32 @p0 $0x1  }
0x13: {  	[smem:$0x3FB0] =	sst s0;
	s0 =	simm.s32 @!p1 $0x0  }
0x14: {  	s2 =	sld [smem:$0x3F94];
	s0 =	simm.s32 @p1 $0x1  }
0x15: {  	[smem:$0x3FB1] =	sst s0;
	s0 =	simm.s32 @!p2 $0x0  }
0x16: {  	s3 =	sld [smem:$0x3FDB];
	s0 =	simm.s32 @p2 $0x1  }
0x17: {  	s4 =	simm.s32 $0x1BF5;
	[smem:$0x3FB3] =	sst s0  }
0x18: {  	s0 =	sld [smem:$0x3F96];
	_ =	swait.ge [sflag:s4], $0x0  }
0x19: {  	s7 =	sld [smem:$0x3F97]  }
0x1a: {  	s8 =	sadd.s32 $0xFFFFE003, lr  }
0x1b: {  	s9 =	sadd.s32 $0xFFFFFEF7, lr;
	s5 =	simm.s32 $0xFFFFFFFF;
	p2 =	slt.u32 s8, $0xFFFFF086  }
0x1c: {  	p1 =	slt.u32 s9, $0xF7A;
	s5 =	simm.s32 @!p2 $0x0  }
0x1d: {  	s5 =	simm.s32 @p1 $0x1;
	p0 =	seq.s32 s7, s2  }
0x1e: {  	s7 =	smul.u32 @!p0 $0xF7A, s2;
	p2 =	seq.s32 @!p0 s5, $0x0  }
0x1f: {  	s9 =	smul.u32 $0xF7A, s1;
	s8 =	simm.s32 @!p0 $0x1BF5;
	p2 =	por !p2, p0  }
0x20: {  	[sflag:s8] =	ssyncset.s32 @!p0 $0xFFFFF086;
	s6 =	sadd.s32 @!p0 s3, s7;
	s7 =	simm.s32 @!p0 $0x108  }
0x21: {  	s3 =	sadd.s32 s3, s9;
	s6 =	sadd.s32 @!p0 $0x88, s6;
	s7 =	simm.s32 @p2 $0x1082  }
0x22: {  	[simem:s7], [sflag:s8] =	dma.local @!p0 [hbm:s6], $0xF7A  }
0x23: {  	s9 =	sor.u32 $0xD0000000, s2;
	s6 =	simm.s32 $0x108;
	_ =	swait.ge @!p0 [sflag:s8], $0x0  }
0x24: {  	s3 =	sadd.s32 $0x88, s3;
	s6 =	simm.s32 @!p1 $0x1082;
	[sflag:s4] =	ssyncset.s32 $0xFFFFF086  }
0x25: {  	[simem:s6], [sflag:s4] =	dma.local [hbm:s3], $0xF7A  }
0x26: {  	[smem:$0x3F97] =	sst s1;
	(tag) =	ssettag s2;
	_ =	strace s9  }
0x27: {  	s1 =	sld [smem:$0x3FA7]  }
0x28: {  	s2 =	sld [smem:$0x3FA8]  }
0x29: {  	s4 =	sld [smem:$0x3FAA]  }
0x2a: {  	p0 =	seq.s32 s5, $0x0;
	s5 =	sld [smem:$0x3FAB]  }
0x2b: {  	s6 =	sld [smem:$0x3FAC]  }
0x2c: {  	s7 =	sld [smem:$0x3FAD]  }
0x2d: {  	s3 =	simm.s32 $0x108;
	s8 =	sld [smem:$0x3FAE]  }
0x2e: {  	s3 =	simm.s32 @!p0 $0x1082;
	s9 =	sld [smem:$0x3FAF]  }
0x2f: {  	lr =	sadd.s32 s0, s3;
	s0 =	sld [smem:$0x3FA6]  }
0x30: {  	s3 =	sld [smem:$0x3FA9]  }
0x31: {  	[smem:$0x3FB2] =	sst s10  }
0x32: {  	s10 =	sld [smem:$0x3FB0];
	_ =	sdelay $0x3  }
0x33: {  	p0 =	seq.s32 s10, $0x1;
	s10 =	sld [smem:$0x3FB2];
	_ =	sdelay $0x3  }
0x34: {  	[smem:$0x3FB2] =	sst s10  }
0x35: {  	s10 =	sld [smem:$0x3FB1];
	_ =	sdelay $0x3  }
0x36: {  	p1 =	seq.s32 s10, $0x1;
	s10 =	sld [smem:$0x3FB2];
	_ =	sdelay $0x3  }
0x37: {  	[smem:$0x3FB2] =	sst s10  }
0x38: {  	s10 =	sld [smem:$0x3FB3]  }
0x39: {  	_ = 	snop;
	(pc) =	sbr.ind lr, $3  }
0x3a: {  	_ = 	snop  }
0x3b: {  	_ = 	snop  }
0x3c: {  	p2 =	seq.s32 s10, $0x1;
	s10 =	sld [smem:$0x3FB2]  }
0x3d: {  	_ =	shalt  }
0x3e: {  	_ =	shalt  }
0x3f: {  	_ =	shalt  }
0x40: {  	_ =	shalt  }
0x41: {  	_ =	shalt  }
0x42: {  	_ =	shalt  }
0x43: {  	_ =	shalt  }
0x44: {  	_ =	shalt  }
0x45: {  	_ =	shalt  }
0x46: {  	_ =	shalt  }
0x47: {  	_ =	shalt  }
0x48: {  	_ =	shalt  }
0x49: {  	_ =	shalt  }
0x4a: {  	_ =	shalt  }
0x4b: {  	_ =	shalt  }
0x4c: {  	_ =	shalt  }
0x4d: {  	_ =	shalt  }
0x4e: {  	_ =	shalt  }
0x4f: {  	_ =	shalt  }
0x50: {  	_ =	shalt  }
0x51: {  	_ =	shalt  }
0x52: {  	_ =	shalt  }
0x53: {  	_ =	shalt  }
0x54: {  	_ =	shalt  }
0x55: {  	_ =	shalt  }
0x56: {  	_ =	shalt  }
0x57: {  	_ =	shalt  }
0x58: {  	_ =	shalt  }
0x59: {  	_ =	shalt  }
0x5a: {  	_ =	shalt  }
0x5b: {  	_ =	shalt  }
0x5c: {  	_ =	shalt  }
0x5d: {  	_ =	shalt  }
0x5e: {  	_ =	shalt  }
0x5f: {  	_ =	shalt  }
0x60: {  	_ =	shalt  }
0x61: {  	_ =	shalt  }
0x62: {  	_ =	shalt  }
0x63: {  	_ =	shalt  }
0x64: {  	_ =	shalt  }
0x65: {  	_ =	shalt  }
0x66: {  	_ =	shalt  }
0x67: {  	_ =	shalt  }
0x68: {  	_ =	shalt  }
0x69: {  	_ =	shalt  }
0x6a: {  	_ =	shalt  }
0x6b: {  	_ =	shalt  }
0x6c: {  	_ =	shalt  }
0x6d: {  	_ =	shalt  }
0x6e: {  	_ =	shalt  }
0x6f: {  	_ =	shalt  }
0x70: {  	_ =	shalt  }
0x71: {  	_ =	shalt  }
0x72: {  	_ =	shalt  }
0x73: {  	_ =	shalt  }
0x74: {  	_ =	shalt  }
0x75: {  	_ =	shalt  }
0x76: {  	_ =	shalt  }
0x77: {  	_ =	shalt  }
0x78: {  	_ =	shalt  }
0x79: {  	_ =	shalt  }
0x7a: {  	_ =	shalt  }
0x7b: {  	_ =	shalt  }
0x7c: {  	_ =	shalt  }
0x7d: {  	_ =	shalt  }
0x7e: {  	_ =	shalt  }
0x7f: {  	_ =	shalt  }
0x80: {  	_ =	shalt  }
0x81: {  	_ =	shalt  }
0x82: {  	_ =	shalt  }
0x83: {  	_ =	shalt  }
0x84: {  	_ =	shalt  }
0x85: {  	_ =	shalt  }
0x86: {  	_ =	shalt  }
0x87: {  	_ =	shalt  }
.Lfunc_end0:
.L_simem_size_0:
called_computation_lowered:
.L_overlay_start_0:
0x88: {  	s2 =	sld [smem:$0x3FD9]  }
0x89: {  	s3 =	sld [smem:$0x3FFE];
	_ =	sdelay $0x1  }
0x8a: {  	s1 =	srdreg.scid  }
0x8b: {  	s0 =	sand.u32 $0x1, s1  }
0x8c: {  	s17 =	sshll.u32 s0, $0xA;
	s2 =	sadd.s32 s3, s2  }
0x8d: {  	s2 =	sadd.s32 s2, s17  }
0x8e: {  	[smem:$0x3FBE] =	sst s2  }
0x8f: {  	_ = 	snop  }
0x90: {  	s2 =	sld [smem:$0x3FC9]  }
0x91: {  	s18 =	sld [smem:$0x3FC8]  }
0x92: {  	s4 =	sld [smem:$0x3FC7]  }
0x93: {  	s5 =	sld [smem:$0x3FC6];
	(tm) =	ssettm $0x1  }
0x94: {  	s6 =	sld [smem:$0x3FFB];
	_ =	sdelay $0x3  }
0x95: {  	_ =	strace s6  }
0x96: {  	s6 =	sld [smem:$0x3FFC];
	_ =	sdelay $0x3  }
0x97: {  	_ =	strace s6  }
0x98: {  	s6 =	sld [smem:$0x3FFD];
	_ =	sdelay $0x3  }
0x99: {  	_ =	strace s6  }
0x9a: {  	_ =	strace $0x8FFFFFFF  }
0x9b: {  	s19 =	sld [smem:$0x3FDB];
	_ =	sdelay $0x1  }
0x9c: {  	s7 =	simm.s32 $_scs_section_size  }
0x9d: {  	s8 =	simm.s32 $_size__tile_overlayer_lowered;
	s9 =	simm.s32 $_tile_overlayer_lowered  }
0x9e: {  	s22 =	simm.s32 $0x1BFF;
	s21 =	sshll.u32 s9, $0x1;
	s6 =	sadd.s32 s7, s19  }
0x9f: {  	s10 =	simm.s32 $0x0;
	s20 =	sshll.u32 s8, $0x1;
	s8 =	sadd.s32 s21, s6  }
0xa0: {  	[timem:s10], [sflag:s22] =	dma.local [hbm:s8], s20  }
0xa1: {  	_ =	swait.ge [sflag:s22], s20  }
0xa2: {  	s7 =	ssub.s32 $0x0, s20;
	[sflag:s22] =	ssyncset.done $0x0  }
0xa3: {  	[sflag:s22] =	ssyncadd.s32 s7;
	_ =	sdelay $0x1  }
0xa4: {  	s23 =	simm.s32 $0x1B8B  }
0xa5: {  	_ =	swait.ge [sflag:s23], $0x1  }
0xa6: {  	[sflag:s23] =	ssyncset.done $0x0  }
0xa7: {  	s25 =	simm.s32 $0x1B8E;
	s24 =	sld [smem:$0x3FFE];
	[sflag:s23] =	ssyncadd.s32 $0xFFFFFFFF  }
0xa8: {  	s26 =	simm.s32 $execute0_lowered;
	[smem:$0x3FD2] =	sst s25  }
0xa9: {  	s8 =	sshll.u32 s26, $0x1;
	_ =	strace $0x80000046;
	[dreg:$0x1] =	wrdreg $0xFFFFFFFF  }
0xaa: {  	s28 =	simm.s32 $_size_execute0_lowered;
	s6 =	sadd.s32 s6, s8;
	[dreg:$0x0] =	wrdreg $0x0  }
0xab: {  	s8 =	sshll.u32 s28, $0x1;
	[dreg:$0x2] =	wrdreg s6  }
0xac: {  	[dreg:$0x3] =	wrdreg s8  }
0xad: {  	[dreg:$0x4] =	wrdreg $0xC0  }
0xae: {  	_ =	task [dreg:s10], $0x5FFFF  }
0xaf: {  	[dreg:$0x1] =	wrdreg $0xFFFFFFFF  }
0xb0: {  	[dreg:$0x0] =	wrdreg $0x60  }
0xb1: {  	[dreg:$0x2] =	wrdreg s4  }
0xb2: {  	[dreg:$0x3] =	wrdreg s5  }
0xb3: {  	[dreg:$0x4] =	wrdreg s2  }
0xb4: {  	[dreg:$0x5] =	wrdreg s18  }
0xb5: {  	[dreg:$0x6] =	wrdreg s24  }
0xb6: {  	[dreg:$0x7] =	wrdreg $0x9  }
0xb7: {  	_ =	task.clear_ibuf [dreg:s10], $0x8FFFF;
	_ =	strace $0x90000046  }
0xb8: {  	s29 =	simm.s32 $0x9;
	_ =	strace $0x80000048  }
0xb9: {  	_ =	swait.ge [sflag:s29], $0x1  }
0xba: {  	[sflag:s29] =	ssyncadd.s32 $0xFFFFFFFF  }
0xbb: {  	_ =	strace $0x90000048  }
0xbc: {  	_ =	sfence  }
0xbd: {  	s30 =	sld [smem:$0x0];
	_ =	sdelay $0x2  }
0xbe: {  	s31 =	sshll.u32 s1, $0xD;
	s1 =	sshrl.u32 s1, $0x2  }
0xbf: {  	s3 =	sand.u32 $0x4000, s31;
	s1 =	sadd.s32 s1, s30  }
0xc0: {  	s0 =	sor.u32 s3, s0;
	s1 =	sshll.u32 s1, $0x11  }
0xc1: {  	s0 =	sor.u32 s1, s0  }
0xc2: {  	s0 =	sadd.s32 $0x8F2B, s0  }
0xc3: {  	[sflag:s0] =	ssyncadd.remote.s32 $0x1  }
0xc4: {  	_ =	sfence.sel $0xFFFF  }
0xc5: {  	[dreg:$0x0] =	wrdreg $0xFFFFFFFF;
	(pc) =	sbr.abs _section_cstart, $3  }
0xc6: {  	[dreg:$0x1] =	wrdreg $0xFFFFFFFF  }
0xc7: {  	_ =	task.clear_ibuf [dreg:s10], $0x2FFFF;
	_ =	strace $0x9FFFFFFF  }
0xc8: {  	(tm) =	ssettm $0x7FFFFFFF  }
0xc9: {  	_ =	shalt  }
tec
execute0_lowered:
.L_overlay_start_1:
0x0: {  	(tag) =	ssettag $0x1  }
0x1: {  	s1 =	rddreg [dreg:$0x0]  }
0x2: {  	s2 =	rddreg [dreg:$0x1];
	s3 =	srdreg.scid  }
0x3: {  	s5 =	rddreg [dreg:$0x2];
	s0 =	stileid.u32;
	s22 =	sand.u32 $0x1, s3  }
0x4: {  	s6 =	rddreg [dreg:$0x3];
	s7 =	sshll.u32 s0, $0x9;
	s8 =	sshll.u32 s22, $0x8  }
0x5: {  	s17 =	rddreg [dreg:$0x4];
	s4 =	simm.s32 $0x0;
	s16 =	sor.u32 s8, s7  }
0x6: {  	[smem:$0x7FF] =	sst s4;
	s7 =	sshrl.u32 s16, $0x3  }
0x7: {  	s3 =	rddreg [dreg:$0x5];
	_ =	strace $0x80000047;
	s5 =	sadd.s32 s5, s7  }
0x8: {  	[tilespmem:s4], [sflag:$0x1] =	stream.linear.gather [hbm4b:s5+s4], $0x100, $0x38;
	[tilespmem:$0x10200] =	vst v63  }
0x9: {  	s8 =	simm.s32 $0x1;
	s6 =	sadd.s32 s6, s7;
	s7 =	simm.s32 $0x100  }
0xa: {  	[tilespmem:s7], [sflag:$0x3] =	stream.linear.gather [hbm4b:s6+s4], $0x100, $0x38;
	[tilespmem:$0x10200] =	vst v63  }
0xb: {  	_ =	swait.ge [sflag:s8], $0x100  }
0xc: {  	[sflag:s8] =	ssyncset.done $0x0  }
0xd: {  	s9 =	simm.s32 $0x3;
	[sflag:s8] =	ssyncadd.s32 $0xFFFFFF00  }
0xe: {  	_ =	swait.ge [sflag:s9], $0x100  }
0xf: {  	[sflag:s9] =	ssyncset.done $0x0  }
0x10: {  	s10 =	simm.s32 $0x80;
	s11 =	simm.s32 $0x200;
	[sflag:s9] =	ssyncadd.s32 $0xFFFFFF00  }
0x11: {  	[tilespmem:s11], [sflag:$0x1] =	stream.indirect.gather [hbm4b:s1+s10], $0x80, s4, s10, $0xb8;
	[tilespmem:$0x10200] =	vst v63  }
0x12: {  	s12 =	simm.s32 $0x8200  }
0x13: {  	[tilespmem:s12], [sflag:$0x3] =	stream.indirect.gather [hbm4b:s2+s10], $0x80, s7, s10, $0xb8;
	[tilespmem:$0x10200] =	vst v63  }
0x14: {  	s13 =	simm.s32 $0x4200  }
0x15: {  	[tilespmem:s13], [sflag:$0x2] =	stream.indirect.gather [hbm4b:s1+s10], $0x80, s10, s10, $0xb8;
	[tilespmem:$0x10200] =	vst v63  }
0x16: {  	s14 =	simm.s32 $0x180;
	s15 =	simm.s32 $0xC200  }
0x17: {  	[tilespmem:s15], [sflag:$0x4] =	stream.indirect.gather [hbm4b:s2+s10], $0x80, s14, s10, $0xb8;
	[tilespmem:$0x10200] =	vst v63  }
0x18: {  	_ =	swait.ge [sflag:s8], $0x4000  }
0x19: {  	s19 =	sadd.s32 $0x2400, s17;
	s20 =	sshll.u32 s16, $0x4;
	[sflag:s8] =	ssyncset.done $0x0  }
0x1a: {  	s16 =	sadd.s32 s19, s20;
	[sflag:s8] =	ssyncadd.s32 $0xFFFFC000  }
0x1b: {  	[hbm4b:s16+s4] =	stream.linear.scatter [tilespmem:s11], [sflag:$0x1], $0x4000, $0x38;
	[tilespmem:$0x10200] =	vst v63  }
0x1c: {  	_ =	swait.ge [sflag:s9], $0x4000  }
0x1d: {  	s21 =	sadd.s32 $0x22400, s17;
	[sflag:s9] =	ssyncset.done $0x0  }
0x1e: {  	s18 =	simm.s32 $0x2;
	s17 =	sadd.s32 s21, s20;
	[sflag:s9] =	ssyncadd.s32 $0xFFFFC000  }
0x1f: {  	[hbm4b:s17+s4] =	stream.linear.scatter [tilespmem:s12], [sflag:$0x3], $0x4000, $0x38;
	[tilespmem:$0x10200] =	vst v63  }
0x20: {  	_ =	swait.ge [sflag:s18], $0x4000  }
0x21: {  	s23 =	sor.u32 $0x800, s20;
	[sflag:s18] =	ssyncset.done $0x0  }
0x22: {  	s20 =	sadd.s32 s19, s23;
	s19 =	simm.s32 $0x4;
	[sflag:s18] =	ssyncadd.s32 $0xFFFFC000  }
0x23: {  	[hbm4b:s20+s4] =	stream.linear.scatter [tilespmem:s13], [sflag:$0x2], $0x4000, $0x38;
	[tilespmem:$0x10200] =	vst v63  }
0x24: {  	_ =	swait.ge [sflag:s19], $0x4000  }
0x25: {  	[sflag:s19] =	ssyncset.done $0x0  }
0x26: {  	s21 =	sadd.s32 s21, s23;
	[sflag:s19] =	ssyncadd.s32 $0xFFFFC000  }
0x27: {  	[hbm4b:s21+s4] =	stream.linear.scatter [tilespmem:s15], [sflag:$0x4], $0x4000, $0x38;
	[tilespmem:$0x10200] =	vst v63  }
0x28: {  	_ =	swait.ge [sflag:s8], $0x4000  }
0x29: {  	s22 =	ssub.s32 $0x2, s22;
	[sflag:s8] =	ssyncset.done $0x0  }
0x2a: {  	s31 =	sshrl.u32 s22, $0x1;
	[sflag:s8] =	ssyncadd.s32 $0xFFFFC000  }
0x2b: {  	s22 =	ssub.s32 s22, s31;
	_ =	swait.ge [sflag:s9], $0x4000  }
0x2c: {  	s22 =	smax.u32 s22, $0x1;
	[sflag:s9] =	ssyncset.done $0x0  }
0x2d: {  	p0 =	sne.s32 s22, $0x1;
	[sflag:s9] =	ssyncadd.s32 $0xFFFFC000  }
.Ltmp0:
0x2e: {  	_ =	swait.ge [sflag:s18], $0x4000;
	(pc) =	sbr.rel @!p0 .LBB2_2-.Ltmp0, $4  }
0x2f: {  	[sflag:s18] =	ssyncset.done $0x0  }
0x30: {  	[sflag:s18] =	ssyncadd.s32 $0xFFFFC000  }
0x31: {  	_ =	swait.ge [sflag:s19], $0x4000  }
0x32: {  	s22 =	sadd.s32 $0xFFFFFFFF, s22;
	[sflag:s19] =	ssyncset.done $0x0  }
.LBB2_1:
0x33: {  	p0 =	sne.s32 s22, $0x1;
	s22 =	sadd.s32 $0xFFFFFFFF, s22;
	[sflag:s19] =	ssyncadd.s32 $0xFFFFC000  }
0x34: {  	[tilespmem:s4], [sflag:$0x1] =	stream.linear.gather [hbm4b:s5+s4], $0x100, $0x38;
	[tilespmem:$0x10200] =	vst v63  }
0x35: {  	_ = 	snop  }
0x36: {  	[tilespmem:s7], [sflag:$0x3] =	stream.linear.gather [hbm4b:s6+s4], $0x100, $0x38;
	[tilespmem:$0x10200] =	vst v63  }
0x37: {  	_ =	swait.ge [sflag:s8], $0x100  }
0x38: {  	[sflag:s8] =	ssyncset.done $0x0  }
0x39: {  	[sflag:s8] =	ssyncadd.s32 $0xFFFFFF00  }
0x3a: {  	_ =	swait.ge [sflag:s9], $0x100  }
0x3b: {  	[sflag:s9] =	ssyncset.done $0x0  }
0x3c: {  	[sflag:s9] =	ssyncadd.s32 $0xFFFFFF00  }
0x3d: {  	[tilespmem:s11], [sflag:$0x1] =	stream.indirect.gather [hbm4b:s1+s10], $0x80, s4, s10, $0xb8;
	[tilespmem:$0x10200] =	vst v63  }
0x3e: {  	_ = 	snop  }
0x3f: {  	[tilespmem:s12], [sflag:$0x3] =	stream.indirect.gather [hbm4b:s2+s10], $0x80, s7, s10, $0xb8;
	[tilespmem:$0x10200] =	vst v63  }
0x40: {  	_ = 	snop  }
0x41: {  	[tilespmem:s13], [sflag:$0x2] =	stream.indirect.gather [hbm4b:s1+s10], $0x80, s10, s10, $0xb8;
	[tilespmem:$0x10200] =	vst v63  }
0x42: {  	_ = 	snop  }
0x43: {  	[tilespmem:s15], [sflag:$0x4] =	stream.indirect.gather [hbm4b:s2+s10], $0x80, s14, s10, $0xb8;
	[tilespmem:$0x10200] =	vst v63  }
0x44: {  	_ =	swait.ge [sflag:s8], $0x4000  }
0x45: {  	[sflag:s8] =	ssyncset.done $0x0  }
0x46: {  	[sflag:s8] =	ssyncadd.s32 $0xFFFFC000  }
0x47: {  	[hbm4b:s16+s4] =	stream.linear.scatter [tilespmem:s11], [sflag:$0x1], $0x4000, $0x38;
	[tilespmem:$0x10200] =	vst v63  }
0x48: {  	_ =	swait.ge [sflag:s9], $0x4000  }
0x49: {  	[sflag:s9] =	ssyncset.done $0x0  }
0x4a: {  	[sflag:s9] =	ssyncadd.s32 $0xFFFFC000  }
0x4b: {  	[hbm4b:s17+s4] =	stream.linear.scatter [tilespmem:s12], [sflag:$0x3], $0x4000, $0x38;
	[tilespmem:$0x10200] =	vst v63  }
0x4c: {  	_ =	swait.ge [sflag:s18], $0x4000  }
0x4d: {  	[sflag:s18] =	ssyncset.done $0x0  }
0x4e: {  	[sflag:s18] =	ssyncadd.s32 $0xFFFFC000  }
0x4f: {  	[hbm4b:s20+s4] =	stream.linear.scatter [tilespmem:s13], [sflag:$0x2], $0x4000, $0x38;
	[tilespmem:$0x10200] =	vst v63  }
0x50: {  	_ =	swait.ge [sflag:s19], $0x4000  }
0x51: {  	[sflag:s19] =	ssyncset.done $0x0  }
0x52: {  	[sflag:s19] =	ssyncadd.s32 $0xFFFFC000  }
0x53: {  	[hbm4b:s21+s4] =	stream.linear.scatter [tilespmem:s15], [sflag:$0x4], $0x4000, $0x38;
	[tilespmem:$0x10200] =	vst v63  }
0x54: {  	_ =	swait.ge [sflag:s8], $0x4000  }
0x55: {  	[sflag:s8] =	ssyncset.done $0x0  }
0x56: {  	[sflag:s8] =	ssyncadd.s32 $0xFFFFC000  }
0x57: {  	_ =	swait.ge [sflag:s9], $0x4000  }
0x58: {  	[sflag:s9] =	ssyncset.done $0x0  }
0x59: {  	[sflag:s9] =	ssyncadd.s32 $0xFFFFC000  }
.Ltmp1:
0x5a: {  	_ =	swait.ge [sflag:s18], $0x4000;
	(pc) =	sbr.rel @p0 .LBB2_1-.Ltmp1, $4  }
0x5b: {  	[sflag:s18] =	ssyncset.done $0x0  }
0x5c: {  	[sflag:s18] =	ssyncadd.s32 $0xFFFFC000  }
0x5d: {  	_ =	swait.ge [sflag:s19], $0x4000  }
0x5e: {  	[sflag:s19] =	ssyncset.done $0x0  }
.LBB2_2:
0x5f: {  	[sflag:s19] =	ssyncadd.s32 $0xFFFFC000  }
0x60: {  	_ =	sfence.sel $0x180000  }
0x61: {  	[bflag:$0x0] =	sbarrier.arrive $0xFFFF  }
0x62: {  	p0 =	sne.s32 s0, $0x0;
	_ =	strace $0x90000047  }
0x63: {  	s0 =	sadd.s32 @!p0 $0x100000, s3;
	[bflag:$0x2] =	sbarrier.arrive $0xFFFF  }
0x64: {  	[sflag:s0] =	ssyncadd.tile.s32 @!p0 $0x1;
	_ =	shalt  }
.Lfunc_end2:
_tile_overlayer_lowered:
.L_overlay_start_2:
0x65: {  	(tag) =	ssettag $0x2  }
0x66: {  	s0 =	rddreg [dreg:$0x0];
	s2 =	stileid.u32  }
0x67: {  	s1 =	rddreg [dreg:$0x1];
	p0 =	sne.s32 s2, $0x0  }
0x68: {  	s3 =	rddreg [dreg:$0x2];
	[bflag:$0x3] =	sbarrier.arrive $0xFFFF;
	s2 =	simm.s32 @!p0 $0x1C05  }
0x69: {  	[timem:s3], [sflag:s2] =	dma.local @!p0 [hbm:s0], s1  }
0x6a: {  	s0 =	simm.s32 @!p0 $0x5  }
0x6b: {  	_ =	swait.ge @!p0 [sflag:s0], s1  }
0x6c: {  	s1 =	ssub.s32 @!p0 $0x0, s1;
	[sflag:s0] =	ssyncset.done @!p0 $0x0  }
0x6d: {  	[sflag:s0] =	ssyncadd.s32 @!p0 s1  }
0x6e: {  	[bflag:$0x3] =	sbarrier.arrive $0xFFFF  }
0x6f: {  	_ =	shalt  }

// kernel: kernel.9.cloned.1.call-start
scs
__scs_entry_jumppad:
0x0: {  	(pc) =	sbr.rel $0x88, $3  }
0x1: {  	(tag) =	ssettag $0x0;
	lr =	simm.s32 $0x1  }
0x2: {  	[smem:$0x3F97] =	sst lr;
	_ =	strace $0xD0000000  }
0x3: {  	_ = 	snop  }
0x4: {  	_ = 	snop  }
0x5: {  	_ = 	snop  }
0x6: {  	_ = 	snop  }
0x7: {  	_ = 	snop  }
__scs_overlays_trampoline_lowered:
0x8: {  	[smem:$0x3FA6] =	sst s0  }
0x9: {  	[smem:$0x3FA7] =	sst s1  }
0xa: {  	[smem:$0x3FA8] =	sst s2  }
0xb: {  	[smem:$0x3FA9] =	sst s3  }
0xc: {  	[smem:$0x3FAA] =	sst s4  }
0xd: {  	[smem:$0x3FAB] =	sst s5  }
0xe: {  	[smem:$0x3FAC] =	sst s6  }
0xf: {  	[smem:$0x3FAD] =	sst s7  }
0x10: {  	[smem:$0x3FAE] =	sst s8  }
0x11: {  	[smem:$0x3FAF] =	sst s9;
	s0 =	simm.s32 @!p0 $0x0  }
0x12: {  	s1 =	sld [smem:$0x3F95];
	s0 =	simm.s32 @p0 $0x1  }
0x13: {  	[smem:$0x3FB0] =	sst s0;
	s0 =	simm.s32 @!p1 $0x0  }
0x14: {  	s2 =	sld [smem:$0x3F94];
	s0 =	simm.s32 @p1 $0x1  }
0x15: {  	[smem:$0x3FB1] =	sst s0;
	s0 =	simm.s32 @!p2 $0x0  }
0x16: {  	s3 =	sld [smem:$0x3FDB];
	s0 =	simm.s32 @p2 $0x1  }
0x17: {  	s4 =	simm.s32 $0x1BF5;
	[smem:$0x3FB3] =	sst s0  }
0x18: {  	s0 =	sld [smem:$0x3F96];
	_ =	swait.ge [sflag:s4], $0x0  }
0x19: {  	s7 =	sld [smem:$0x3F97]  }
0x1a: {  	s8 =	sadd.s32 $0xFFFFE003, lr  }
0x1b: {  	s9 =	sadd.s32 $0xFFFFFEF7, lr;
	s5 =	simm.s32 $0xFFFFFFFF;
	p2 =	slt.u32 s8, $0xFFFFF086  }
0x1c: {  	p1 =	slt.u32 s9, $0xF7A;
	s5 =	simm.s32 @!p2 $0x0  }
0x1d: {  	s5 =	simm.s32 @p1 $0x1;
	p0 =	seq.s32 s7, s2  }
0x1e: {  	s7 =	smul.u32 @!p0 $0xF7A, s2;
	p2 =	seq.s32 @!p0 s5, $0x0  }
0x1f: {  	s9 =	smul.u32 $0xF7A, s1;
	s8 =	simm.s32 @!p0 $0x1BF5;
	p2 =	por !p2, p0  }
0x20: {  	[sflag:s8] =	ssyncset.s32 @!p0 $0xFFFFF086;
	s6 =	sadd.s32 @!p0 s3, s7;
	s7 =	simm.s32 @!p0 $0x108  }
0x21: {  	s3 =	sadd.s32 s3, s9;
	s6 =	sadd.s32 @!p0 $0x88, s6;
	s7 =	simm.s32 @p2 $0x1082  }
0x22: {  	[simem:s7], [sflag:s8] =	dma.local @!p0 [hbm:s6], $0xF7A  }
0x23: {  	s9 =	sor.u32 $0xD0000000, s2;
	s6 =	simm.s32 $0x108;
	_ =	swait.ge @!p0 [sflag:s8], $0x0  }
0x24: {  	s3 =	sadd.s32 $0x88, s3;
	s6 =	simm.s32 @!p1 $0x1082;
	[sflag:s4] =	ssyncset.s32 $0xFFFFF086  }
0x25: {  	[simem:s6], [sflag:s4] =	dma.local [hbm:s3], $0xF7A  }
0x26: {  	[smem:$0x3F97] =	sst s1;
	(tag) =	ssettag s2;
	_ =	strace s9  }
0x27: {  	s1 =	sld [smem:$0x3FA7]  }
0x28: {  	s2 =	sld [smem:$0x3FA8]  }
0x29: {  	s4 =	sld [smem:$0x3FAA]  }
0x2a: {  	p0 =	seq.s32 s5, $0x0;
	s5 =	sld [smem:$0x3FAB]  }
0x2b: {  	s6 =	sld [smem:$0x3FAC]  }
0x2c: {  	s7 =	sld [smem:$0x3FAD]  }
0x2d: {  	s3 =	simm.s32 $0x108;
	s8 =	sld [smem:$0x3FAE]  }
0x2e: {  	s3 =	simm.s32 @!p0 $0x1082;
	s9 =	sld [smem:$0x3FAF]  }
0x2f: {  	lr =	sadd.s32 s0, s3;
	s0 =	sld [smem:$0x3FA6]  }
0x30: {  	s3 =	sld [smem:$0x3FA9]  }
0x31: {  	[smem:$0x3FB2] =	sst s10  }
0x32: {  	s10 =	sld [smem:$0x3FB0];
	_ =	sdelay $0x3  }
0x33: {  	p0 =	seq.s32 s10, $0x1;
	s10 =	sld [smem:$0x3FB2];
	_ =	sdelay $0x3  }
0x34: {  	[smem:$0x3FB2] =	sst s10  }
0x35: {  	s10 =	sld [smem:$0x3FB1];
	_ =	sdelay $0x3  }
0x36: {  	p1 =	seq.s32 s10, $0x1;
	s10 =	sld [smem:$0x3FB2];
	_ =	sdelay $0x3  }
0x37: {  	[smem:$0x3FB2] =	sst s10  }
0x38: {  	s10 =	sld [smem:$0x3FB3]  }
0x39: {  	_ = 	snop;
	(pc) =	sbr.ind lr, $3  }
0x3a: {  	_ = 	snop  }
0x3b: {  	_ = 	snop  }
0x3c: {  	p2 =	seq.s32 s10, $0x1;
	s10 =	sld [smem:$0x3FB2]  }
0x3d: {  	_ =	shalt  }
0x3e: {  	_ =	shalt  }
0x3f: {  	_ =	shalt  }
0x40: {  	_ =	shalt  }
0x41: {  	_ =	shalt  }
0x42: {  	_ =	shalt  }
0x43: {  	_ =	shalt  }
0x44: {  	_ =	shalt  }
0x45: {  	_ =	shalt  }
0x46: {  	_ =	shalt  }
0x47: {  	_ =	shalt  }
0x48: {  	_ =	shalt  }
0x49: {  	_ =	shalt  }
0x4a: {  	_ =	shalt  }
0x4b: {  	_ =	shalt  }
0x4c: {  	_ =	shalt  }
0x4d: {  	_ =	shalt  }
0x4e: {  	_ =	shalt  }
0x4f: {  	_ =	shalt  }
0x50: {  	_ =	shalt  }
0x51: {  	_ =	shalt  }
0x52: {  	_ =	shalt  }
0x53: {  	_ =	shalt  }
0x54: {  	_ =	shalt  }
0x55: {  	_ =	shalt  }
0x56: {  	_ =	shalt  }
0x57: {  	_ =	shalt  }
0x58: {  	_ =	shalt  }
0x59: {  	_ =	shalt  }
0x5a: {  	_ =	shalt  }
0x5b: {  	_ =	shalt  }
0x5c: {  	_ =	shalt  }
0x5d: {  	_ =	shalt  }
0x5e: {  	_ =	shalt  }
0x5f: {  	_ =	shalt  }
0x60: {  	_ =	shalt  }
0x61: {  	_ =	shalt  }
0x62: {  	_ =	shalt  }
0x63: {  	_ =	shalt  }
0x64: {  	_ =	shalt  }
0x65: {  	_ =	shalt  }
0x66: {  	_ =	shalt  }
0x67: {  	_ =	shalt  }
0x68: {  	_ =	shalt  }
0x69: {  	_ =	shalt  }
0x6a: {  	_ =	shalt  }
0x6b: {  	_ =	shalt  }
0x6c: {  	_ =	shalt  }
0x6d: {  	_ =	shalt  }
0x6e: {  	_ =	shalt  }
0x6f: {  	_ =	shalt  }
0x70: {  	_ =	shalt  }
0x71: {  	_ =	shalt  }
0x72: {  	_ =	shalt  }
0x73: {  	_ =	shalt  }
0x74: {  	_ =	shalt  }
0x75: {  	_ =	shalt  }
0x76: {  	_ =	shalt  }
0x77: {  	_ =	shalt  }
0x78: {  	_ =	shalt  }
0x79: {  	_ =	shalt  }
0x7a: {  	_ =	shalt  }
0x7b: {  	_ =	shalt  }
0x7c: {  	_ =	shalt  }
0x7d: {  	_ =	shalt  }
0x7e: {  	_ =	shalt  }
0x7f: {  	_ =	shalt  }
0x80: {  	_ =	shalt  }
0x81: {  	_ =	shalt  }
0x82: {  	_ =	shalt  }
0x83: {  	_ =	shalt  }
0x84: {  	_ =	shalt  }
0x85: {  	_ =	shalt  }
0x86: {  	_ =	shalt  }
0x87: {  	_ =	shalt  }
.Lfunc_end0:
.L_simem_size_0:
called_computation.1_lowered:
.L_overlay_start_0:
0x88: {  	s2 =	sld [smem:$0x3FD9]  }
0x89: {  	s3 =	sld [smem:$0x3FFE];
	_ =	sdelay $0x1  }
0x8a: {  	s1 =	srdreg.scid  }
0x8b: {  	s0 =	sand.u32 $0x1, s1  }
0x8c: {  	s17 =	sshll.u32 s0, $0xA;
	s2 =	sadd.s32 s3, s2  }
0x8d: {  	s2 =	sadd.s32 s2, s17  }
0x8e: {  	[smem:$0x3FBE] =	sst s2  }
0x8f: {  	_ = 	snop  }
0x90: {  	s18 =	sld [smem:$0x3FC9]  }
0x91: {  	s4 =	sld [smem:$0x3FC8]  }
0x92: {  	s5 =	sld [smem:$0x3FC7]  }
0x93: {  	s6 =	sld [smem:$0x3FC6];
	(tm) =	ssettm $0x1  }
0x94: {  	s19 =	sld [smem:$0x3FFB];
	_ =	sdelay $0x3  }
0x95: {  	_ =	strace s19  }
0x96: {  	s2 =	sld [smem:$0x3FFC];
	_ =	sdelay $0x3  }
0x97: {  	_ =	strace s2  }
0x98: {  	s2 =	sld [smem:$0x3FFD];
	_ =	sdelay $0x3  }
0x99: {  	_ =	strace s2  }
0x9a: {  	_ =	strace $0x8FFFFFFF  }
0x9b: {  	s20 =	sld [smem:$0x3FDB];
	_ =	sdelay $0x1  }
0x9c: {  	s7 =	simm.s32 $_scs_section_size  }
0x9d: {  	s8 =	simm.s32 $_size__tile_overlayer_lowered;
	s9 =	simm.s32 $_tile_overlayer_lowered  }
0x9e: {  	s10 =	simm.s32 $0x1BFF;
	s21 =	sshll.u32 s9, $0x1;
	s7 =	sadd.s32 s7, s20  }
0x9f: {  	s22 =	simm.s32 $0x0;
	s8 =	sshll.u32 s8, $0x1;
	s9 =	sadd.s32 s21, s7  }
0xa0: {  	[timem:s22], [sflag:s10] =	dma.local [hbm:s9], s8  }
0xa1: {  	_ =	swait.ge [sflag:s10], s8  }
0xa2: {  	s8 =	ssub.s32 $0x0, s8;
	[sflag:s10] =	ssyncset.done $0x0  }
0xa3: {  	[sflag:s10] =	ssyncadd.s32 s8;
	_ =	sdelay $0x1  }
0xa4: {  	s23 =	simm.s32 $0x1B8B  }
0xa5: {  	_ =	swait.ge [sflag:s23], $0x1  }
0xa6: {  	[sflag:s23] =	ssyncset.done $0x0  }
0xa7: {  	[sflag:s23] =	ssyncadd.s32 $0xFFFFFFFF  }
0xa8: {  	s8 =	sld [smem:$0x0]  }
0xa9: {  	s9 =	sand.u32 $0xFFFFFFFE, s1  }
0xaa: {  	p0 =	sne.s32 s1, s9  }
0xab: {  	s9 =	sshll.u32 @p0 s9, $0xE  }
0xac: {  	s9 =	sadd.s32 @p0 $0x11B8D, s9;
	s10 =	sshll.u32 @p0 s8, $0x11  }
0xad: {  	s9 =	sor.u32 @p0 s10, s9  }
0xae: {  	[sflag:s9] =	ssyncadd.remote.s32 @p0 $0x1;
	_ =	sdelay $0x1  }
0xaf: {  	s9 =	simm.s32 @p0 $0x1B8D  }
0xb0: {  	_ =	swait.eq @p0 [sflag:s9], $0x1  }
0xb1: {  	[sflag:s9] =	ssyncadd.s32 @p0 $0xFFFFFFFF  }
0xb2: {  	s10 =	sshll.u32 @!p0 s1, $0xE  }
0xb3: {  	s10 =	sor.u32 @!p0 $0x4000, s10;
	s9 =	simm.s32 @!p0 $0x1B8D  }
0xb4: {  	s8 =	sshll.u32 @!p0 s8, $0x11;
	s10 =	sadd.s32 @!p0 $0x11B8D, s10;
	_ =	swait.eq @!p0 [sflag:s9], $0x1  }
0xb5: {  	s8 =	sor.u32 @!p0 s8, s10;
	[sflag:s9] =	ssyncadd.s32 @!p0 $0xFFFFFFFF  }
0xb6: {  	s25 =	simm.s32 $0x1B8E;
	s24 =	sld [smem:$0x3FFE];
	[sflag:s8] =	ssyncadd.remote.s32 @!p0 $0x1  }
0xb7: {  	s26 =	simm.s32 $execute0_lowered;
	[smem:$0x3FD2] =	sst s25  }
0xb8: {  	s9 =	sshll.u32 s26, $0x1;
	_ =	strace $0x80000049;
	[dreg:$0x1] =	wrdreg $0xFFFFFFFF  }
0xb9: {  	s28 =	simm.s32 $_size_execute0_lowered;
	s7 =	sadd.s32 s7, s9;
	[dreg:$0x0] =	wrdreg $0x0  }
0xba: {  	s9 =	sshll.u32 s28, $0x1;
	[dreg:$0x2] =	wrdreg s7  }
0xbb: {  	[dreg:$0x3] =	wrdreg s9  }
0xbc: {  	[dreg:$0x4] =	wrdreg $0xC0  }
0xbd: {  	_ =	task [dreg:s22], $0x5FFFF  }
0xbe: {  	[dreg:$0x1] =	wrdreg $0xFFFFFFFF  }
0xbf: {  	[dreg:$0x0] =	wrdreg $0x60  }
0xc0: {  	[dreg:$0x2] =	wrdreg s5  }
0xc1: {  	[dreg:$0x3] =	wrdreg s6  }
0xc2: {  	[dreg:$0x4] =	wrdreg s18  }
0xc3: {  	[dreg:$0x5] =	wrdreg s4  }
0xc4: {  	[dreg:$0x6] =	wrdreg s24  }
0xc5: {  	[dreg:$0x7] =	wrdreg $0xA  }
0xc6: {  	_ =	task.clear_ibuf [dreg:s22], $0x8FFFF;
	_ =	strace $0x90000049  }
0xc7: {  	s29 =	simm.s32 $0xA;
	_ =	strace $0x8000004B  }
0xc8: {  	_ =	swait.ge [sflag:s29], $0x1  }
0xc9: {  	[sflag:s29] =	ssyncadd.s32 $0xFFFFFFFF  }
0xca: {  	_ =	strace $0x9000004B  }
0xcb: {  	_ =	sfence  }
0xcc: {  	s30 =	sld [smem:$0x0];
	_ =	sdelay $0x2  }
0xcd: {  	s31 =	sshll.u32 s1, $0xD;
	s1 =	sshrl.u32 s1, $0x2  }
0xce: {  	s4 =	sand.u32 $0x4000, s31;
	s1 =	sadd.s32 s1, s30  }
0xcf: {  	s0 =	sor.u32 s4, s0;
	s1 =	sshll.u32 s1, $0x11  }
0xd0: {  	s0 =	sor.u32 s1, s0  }
0xd1: {  	s0 =	sadd.s32 $0x8F2B, s0  }
0xd2: {  	[sflag:s0] =	ssyncadd.remote.s32 $0x1  }
0xd3: {  	_ =	sfence.sel $0xFFFF  }
0xd4: {  	[dreg:$0x0] =	wrdreg $0xFFFFFFFF;
	(pc) =	sbr.abs _section_cstart, $3  }
0xd5: {  	[dreg:$0x1] =	wrdreg $0xFFFFFFFF  }
0xd6: {  	_ =	task.clear_ibuf [dreg:s22], $0x2FFFF;
	_ =	strace $0x9FFFFFFF  }
0xd7: {  	(tm) =	ssettm $0x7FFFFFFF  }
tec
execute0_lowered:
.L_overlay_start_1:
0x0: {  	(tag) =	ssettag $0x1  }
0x1: {  	s1 =	rddreg [dreg:$0x0];
	s3 =	srdreg.scid  }
0x2: {  	s2 =	rddreg [dreg:$0x1];
	s0 =	stileid.u32;
	s22 =	sand.u32 $0x1, s3  }
0x3: {  	s5 =	rddreg [dreg:$0x2];
	s30 =	sshll.u32 s0, $0x9;
	s4 =	sshll.u32 s22, $0x8  }
0x4: {  	s6 =	rddreg [dreg:$0x3];
	s16 =	sor.u32 s4, s30  }
0x5: {  	s17 =	rddreg [dreg:$0x4];
	s4 =	simm.s32 $0x0;
	s7 =	sshrl.u32 s16, $0x3  }
0x6: {  	[smem:$0x7FF] =	sst s4;
	s7 =	sor.u32 $0x400, s7  }
0x7: {  	s3 =	rddreg [dreg:$0x5];
	_ =	strace $0x8000004A;
	s5 =	sadd.s32 s5, s7  }
0x8: {  	[tilespmem:s4], [sflag:$0x1] =	stream.linear.gather [hbm4b:s5+s4], $0x100, $0x38;
	[tilespmem:$0x10200] =	vst v63  }
0x9: {  	s8 =	simm.s32 $0x1;
	s6 =	sadd.s32 s6, s7;
	s7 =	simm.s32 $0x100  }
0xa: {  	[tilespmem:s7], [sflag:$0x3] =	stream.linear.gather [hbm4b:s6+s4], $0x100, $0x38;
	[tilespmem:$0x10200] =	vst v63  }
0xb: {  	_ =	swait.ge [sflag:s8], $0x100  }
0xc: {  	[sflag:s8] =	ssyncset.done $0x0  }
0xd: {  	s9 =	simm.s32 $0x3;
	[sflag:s8] =	ssyncadd.s32 $0xFFFFFF00  }
0xe: {  	_ =	swait.ge [sflag:s9], $0x100  }
0xf: {  	[sflag:s9] =	ssyncset.done $0x0  }
0x10: {  	s10 =	simm.s32 $0x80;
	s11 =	simm.s32 $0x200;
	[sflag:s9] =	ssyncadd.s32 $0xFFFFFF00  }
0x11: {  	[tilespmem:s11], [sflag:$0x1] =	stream.indirect.gather [hbm4b:s1+s10], $0x80, s4, s10, $0xb8;
	[tilespmem:$0x10200] =	vst v63  }
0x12: {  	s12 =	simm.s32 $0x8200  }
0x13: {  	[tilespmem:s12], [sflag:$0x3] =	stream.indirect.gather [hbm4b:s2+s10], $0x80, s7, s10, $0xb8;
	[tilespmem:$0x10200] =	vst v63  }
0x14: {  	s13 =	simm.s32 $0x4200  }
0x15: {  	[tilespmem:s13], [sflag:$0x2] =	stream.indirect.gather [hbm4b:s1+s10], $0x80, s10, s10, $0xb8;
	[tilespmem:$0x10200] =	vst v63  }
0x16: {  	s14 =	simm.s32 $0x180;
	s15 =	simm.s32 $0xC200  }
0x17: {  	[tilespmem:s15], [sflag:$0x4] =	stream.indirect.gather [hbm4b:s2+s10], $0x80, s14, s10, $0xb8;
	[tilespmem:$0x10200] =	vst v63  }
0x18: {  	_ =	swait.ge [sflag:s8], $0x4000  }
0x19: {  	s19 =	sadd.s32 $0x42400, s17;
	s20 =	sshll.u32 s16, $0x4;
	[sflag:s8] =	ssyncset.done $0x0  }
0x1a: {  	s16 =	sadd.s32 s19, s20;
	[sflag:s8] =	ssyncadd.s32 $0xFFFFC000  }
0x1b: {  	[hbm4b:s16+s4] =	stream.linear.scatter [tilespmem:s11], [sflag:$0x1], $0x4000, $0x38;
	[tilespmem:$0x10200] =	vst v63  }
0x1c: {  	_ =	swait.ge [sflag:s9], $0x4000  }
0x1d: {  	s21 =	sadd.s32 $0x62400, s17;
	[sflag:s9] =	ssyncset.done $0x0  }
0x1e: {  	s18 =	simm.s32 $0x2;
	s17 =	sadd.s32 s21, s20;
	[sflag:s9] =	ssyncadd.s32 $0xFFFFC000  }
0x1f: {  	[hbm4b:s17+s4] =	stream.linear.scatter [tilespmem:s12], [sflag:$0x3], $0x4000, $0x38;
	[tilespmem:$0x10200] =	vst v63  }
0x20: {  	_ =	swait.ge [sflag:s18], $0x4000  }
0x21: {  	s23 =	sor.u32 $0x800, s20;
	[sflag:s18] =	ssyncset.done $0x0  }
0x22: {  	s20 =	sadd.s32 s19, s23;
	s19 =	simm.s32 $0x4;
	[sflag:s18] =	ssyncadd.s32 $0xFFFFC000  }
0x23: {  	[hbm4b:s20+s4] =	stream.linear.scatter [tilespmem:s13], [sflag:$0x2], $0x4000, $0x38;
	[tilespmem:$0x10200] =	vst v63  }
0x24: {  	_ =	swait.ge [sflag:s19], $0x4000  }
0x25: {  	[sflag:s19] =	ssyncset.done $0x0  }
0x26: {  	s21 =	sadd.s32 s21, s23;
	[sflag:s19] =	ssyncadd.s32 $0xFFFFC000  }
0x27: {  	[hbm4b:s21+s4] =	stream.linear.scatter [tilespmem:s15], [sflag:$0x4], $0x4000, $0x38;
	[tilespmem:$0x10200] =	vst v63  }
0x28: {  	_ =	swait.ge [sflag:s8], $0x4000  }
0x29: {  	s22 =	ssub.s32 $0x2, s22;
	[sflag:s8] =	ssyncset.done $0x0  }
0x2a: {  	s31 =	sshrl.u32 s22, $0x1;
	[sflag:s8] =	ssyncadd.s32 $0xFFFFC000  }
0x2b: {  	s22 =	ssub.s32 s22, s31;
	_ =	swait.ge [sflag:s9], $0x4000  }
0x2c: {  	s22 =	smax.u32 s22, $0x1;
	[sflag:s9] =	ssyncset.done $0x0  }
0x2d: {  	p0 =	sne.s32 s22, $0x1;
	[sflag:s9] =	ssyncadd.s32 $0xFFFFC000  }
.Ltmp0:
0x2e: {  	_ =	swait.ge [sflag:s18], $0x4000;
	(pc) =	sbr.rel @!p0 .LBB2_2-.Ltmp0, $4  }
0x2f: {  	[sflag:s18] =	ssyncset.done $0x0  }
0x30: {  	[sflag:s18] =	ssyncadd.s32 $0xFFFFC000  }
0x31: {  	_ =	swait.ge [sflag:s19], $0x4000  }
0x32: {  	s22 =	sadd.s32 $0xFFFFFFFF, s22;
	[sflag:s19] =	ssyncset.done $0x0  }
.LBB2_1:
0x33: {  	p0 =	sne.s32 s22, $0x1;
	s22 =	sadd.s32 $0xFFFFFFFF, s22;
	[sflag:s19] =	ssyncadd.s32 $0xFFFFC000  }
0x34: {  	[tilespmem:s4], [sflag:$0x1] =	stream.linear.gather [hbm4b:s5+s4], $0x100, $0x38;
	[tilespmem:$0x10200] =	vst v63  }
0x35: {  	_ = 	snop  }
0x36: {  	[tilespmem:s7], [sflag:$0x3] =	stream.linear.gather [hbm4b:s6+s4], $0x100, $0x38;
	[tilespmem:$0x10200] =	vst v63  }
0x37: {  	_ =	swait.ge [sflag:s8], $0x100  }
0x38: {  	[sflag:s8] =	ssyncset.done $0x0  }
0x39: {  	[sflag:s8] =	ssyncadd.s32 $0xFFFFFF00  }
0x3a: {  	_ =	swait.ge [sflag:s9], $0x100  }
0x3b: {  	[sflag:s9] =	ssyncset.done $0x0  }
0x3c: {  	[sflag:s9] =	ssyncadd.s32 $0xFFFFFF00  }
0x3d: {  	[tilespmem:s11], [sflag:$0x1] =	stream.indirect.gather [hbm4b:s1+s10], $0x80, s4, s10, $0xb8;
	[tilespmem:$0x10200] =	vst v63  }
0x3e: {  	_ = 	snop  }
0x3f: {  	[tilespmem:s12], [sflag:$0x3] =	stream.indirect.gather [hbm4b:s2+s10], $0x80, s7, s10, $0xb8;
	[tilespmem:$0x10200] =	vst v63  }
0x40: {  	_ = 	snop  }
0x41: {  	[tilespmem:s13], [sflag:$0x2] =	stream.indirect.gather [hbm4b:s1+s10], $0x80, s10, s10, $0xb8;
	[tilespmem:$0x10200] =	vst v63  }
0x42: {  	_ = 	snop  }
0x43: {  	[tilespmem:s15], [sflag:$0x4] =	stream.indirect.gather [hbm4b:s2+s10], $0x80, s14, s10, $0xb8;
	[tilespmem:$0x10200] =	vst v63  }
0x44: {  	_ =	swait.ge [sflag:s8], $0x4000  }
0x45: {  	[sflag:s8] =	ssyncset.done $0x0  }
0x46: {  	[sflag:s8] =	ssyncadd.s32 $0xFFFFC000  }
0x47: {  	[hbm4b:s16+s4] =	stream.linear.scatter [tilespmem:s11], [sflag:$0x1], $0x4000, $0x38;
	[tilespmem:$0x10200] =	vst v63  }
0x48: {  	_ =	swait.ge [sflag:s9], $0x4000  }
0x49: {  	[sflag:s9] =	ssyncset.done $0x0  }
0x4a: {  	[sflag:s9] =	ssyncadd.s32 $0xFFFFC000  }
0x4b: {  	[hbm4b:s17+s4] =	stream.linear.scatter [tilespmem:s12], [sflag:$0x3], $0x4000, $0x38;
	[tilespmem:$0x10200] =	vst v63  }
0x4c: {  	_ =	swait.ge [sflag:s18], $0x4000  }
0x4d: {  	[sflag:s18] =	ssyncset.done $0x0  }
0x4e: {  	[sflag:s18] =	ssyncadd.s32 $0xFFFFC000  }
0x4f: {  	[hbm4b:s20+s4] =	stream.linear.scatter [tilespmem:s13], [sflag:$0x2], $0x4000, $0x38;
	[tilespmem:$0x10200] =	vst v63  }
0x50: {  	_ =	swait.ge [sflag:s19], $0x4000  }
0x51: {  	[sflag:s19] =	ssyncset.done $0x0  }
0x52: {  	[sflag:s19] =	ssyncadd.s32 $0xFFFFC000  }
0x53: {  	[hbm4b:s21+s4] =	stream.linear.scatter [tilespmem:s15], [sflag:$0x4], $0x4000, $0x38;
	[tilespmem:$0x10200] =	vst v63  }
0x54: {  	_ =	swait.ge [sflag:s8], $0x4000  }
0x55: {  	[sflag:s8] =	ssyncset.done $0x0  }
0x56: {  	[sflag:s8] =	ssyncadd.s32 $0xFFFFC000  }
0x57: {  	_ =	swait.ge [sflag:s9], $0x4000  }
0x58: {  	[sflag:s9] =	ssyncset.done $0x0  }
0x59: {  	[sflag:s9] =	ssyncadd.s32 $0xFFFFC000  }
.Ltmp1:
0x5a: {  	_ =	swait.ge [sflag:s18], $0x4000;
	(pc) =	sbr.rel @p0 .LBB2_1-.Ltmp1, $4  }
0x5b: {  	[sflag:s18] =	ssyncset.done $0x0  }
0x5c: {  	[sflag:s18] =	ssyncadd.s32 $0xFFFFC000  }
0x5d: {  	_ =	swait.ge [sflag:s19], $0x4000  }
0x5e: {  	[sflag:s19] =	ssyncset.done $0x0  }
.LBB2_2:
0x5f: {  	[sflag:s19] =	ssyncadd.s32 $0xFFFFC000  }
0x60: {  	_ =	sfence.sel $0x180000  }
0x61: {  	[bflag:$0x0] =	sbarrier.arrive $0xFFFF  }
0x62: {  	p0 =	sne.s32 s0, $0x0;
	_ =	strace $0x9000004A  }
0x63: {  	s0 =	sadd.s32 @!p0 $0x100000, s3;
	[bflag:$0x2] =	sbarrier.arrive $0xFFFF  }
0x64: {  	[sflag:s0] =	ssyncadd.tile.s32 @!p0 $0x1;
	_ =	shalt  }
.Lfunc_end2:
_tile_overlayer_lowered:
.L_overlay_start_2:
0x65: {  	(tag) =	ssettag $0x2  }
0x66: {  	s0 =	rddreg [dreg:$0x0];
	s2 =	stileid.u32  }
0x67: {  	s1 =	rddreg [dreg:$0x1];
	p0 =	sne.s32 s2, $0x0  }
0x68: {  	s3 =	rddreg [dreg:$0x2];
	[bflag:$0x3] =	sbarrier.arrive $0xFFFF;
	s2 =	simm.s32 @!p0 $0x1C05  }
0x69: {  	[timem:s3], [sflag:s2] =	dma.local @!p0 [hbm:s0], s1  }
0x6a: {  	s0 =	simm.s32 @!p0 $0x5  }
0x6b: {  	_ =	swait.ge @!p0 [sflag:s0], s1  }
0x6c: {  	s1 =	ssub.s32 @!p0 $0x0, s1;
	[sflag:s0] =	ssyncset.done @!p0 $0x0  }
0x6d: {  	[sflag:s0] =	ssyncadd.s32 @!p0 s1  }
0x6e: {  	[bflag:$0x3] =	sbarrier.arrive $0xFFFF  }
0x6f: {  	_ =	shalt  }

</sc_bundles>
